<compile_context>
chip_gen: v7x
topology: tpu7x:2x2x1
jax: 0.10.2.dev20260603
libtpu: 0.0.44.dev20260713+nightly
codegen_flags: <defaults>
</compile_context>

<pallas_src>
import functools

import jax
import jax.numpy as jnp
from jax import lax
from jax.experimental import pallas as pl
from jax.experimental.pallas import tpu as pltpu
from jax.experimental.pallas import tpu_sc as plsc

N_NODES = 10000
N_EDGES = 160000
D_IN = 256
D_HID = 256
D_OUT = 64

NP = 10240
EP = 163840
PAD = 10200
NSC = 2
NTILE = 16
ROWS_T = NP // NTILE
CHUNK = 128
NCH_B = EP // NTILE // CHUNK
NCH_W = EP // (NSC * NTILE) // CHUNK
EW = EP // (NSC * NTILE)
DEG_R = NP // 128
DEG_T = DEG_R // NTILE
M_BLK = 256
NB = NP // M_BLK
NG_SKEW = 16

_MESH = plsc.VectorSubcoreMesh(core_axis_name="c", subcore_axis_name="s",
                               num_cores=NSC, num_subcores=NTILE)


def _deg_body(dst_hbm, zeros_hbm, ident_hbm, out_hbm, idx_v, cnt, ident, acc):
    c = lax.axis_index("c")
    s = lax.axis_index("s")
    w = c * NTILE + s
    pltpu.sync_copy(dst_hbm.at[w], idx_v)
    pltpu.sync_copy(zeros_hbm, cnt)
    pltpu.sync_copy(ident_hbm, ident)
    @pl.when(s < DEG_R // 8)
    def _():
        pltpu.sync_copy(zeros_hbm.at[pl.ds(s * 8, 8)],
                        acc.at[pl.ds(s * 8, 8)])
    plsc.subcore_barrier()

    ones = jnp.full((16,), 1.0, jnp.float32)

    def body(j, carry):
        for l in range(8):
            v = idx_v[j, pl.ds(16 * l, 16)]
            row = jax.lax.shift_right_logical(v, 7)
            col = jax.lax.bitwise_and(v, 127)
            plsc.addupdate_scatter(cnt, [row, col], ones)
        return carry

    lax.fori_loop(0, EW // CHUNK, body, 0)
    pltpu.sync_copy(cnt, acc.at[ident], add=True)
    plsc.subcore_barrier()

    @pl.when(s < DEG_R // 8)
    def _():
        pltpu.sync_copy(acc.at[pl.ds(s * 8, 8)],
                        out_hbm.at[pl.ds(c * DEG_R + s * 8, 8)])


def _make_deg():
    return functools.partial(
        pl.kernel,
        out_type=jax.ShapeDtypeStruct((2 * DEG_R, 128), jnp.float32),
        mesh=_MESH,
        scratch_types=[
            pltpu.VMEM((NCH_W, CHUNK), jnp.int32),
            pltpu.VMEM((DEG_R, 128), jnp.float32),
            pltpu.VMEM((DEG_R,), jnp.int32),
            pltpu.VMEM_SHARED((DEG_R, 128), jnp.float32),
        ],
        compiler_params=pltpu.CompilerParams(needs_layout_passes=False),
    )(_deg_body)


_deg_kernel = _make_deg()


def _agg_body(col_split, ngrp, ng, y_hbm, src_hbm, dst_hbm, out_hbm,
              idx_s, idx_d, buf0, buf1, acc, sem0, sem1, sem_s0, sem_s1):
    c = lax.axis_index("c")
    s = lax.axis_index("s")
    w = c * NTILE + s
    if col_split:
        y_tab = y_hbm.at[c]
    else:
        y_tab = y_hbm
    pltpu.sync_copy(y_tab.at[pl.ds(s * ROWS_T, ROWS_T)],
                    acc.at[pl.ds(s * ROWS_T, ROWS_T)])
    plsc.subcore_barrier()

    def drain(g0, g1):
        pltpu.make_async_copy(buf0, acc.at[idx_d.at[g0]], sem_s0).wait()
        pltpu.make_async_copy(buf1, acc.at[idx_d.at[g1]], sem_s1).wait()

    def step(j2, carry):
        g = 2 * j2
        @pl.when(j2 > 0)
        def _():
            drain(g - 2, g - 1)
        d0 = pltpu.async_copy(y_tab.at[idx_s.at[g]], buf0, sem0)
        d1 = pltpu.async_copy(y_tab.at[idx_s.at[g + 1]], buf1, sem1)
        d0.wait()
        pltpu.async_copy(buf0, acc.at[idx_d.at[g]], sem_s0, add=True)
        d1.wait()
        pltpu.async_copy(buf1, acc.at[idx_d.at[g + 1]], sem_s1, add=True)
        return carry

    if col_split:
        for grp in range(ngrp):
            if grp > 0:
                drain(ng - 2, ng - 1)
            ibase = s * ngrp + grp
            pltpu.sync_copy(src_hbm.at[ibase], idx_s)
            pltpu.sync_copy(dst_hbm.at[ibase], idx_d)
            lax.fori_loop(0, ng // 2, step, 0)
    else:
        ng0, ng1 = ng - NG_SKEW, ng + NG_SKEW
        n_w = jnp.where(c == 0, ng0, ng1)
        start = pl.multiple_of(
            jnp.where(c == 0, s * ng0, NTILE * ng0 + s * ng1), 8)
        pltpu.sync_copy(src_hbm.at[pl.ds(start, ng1)], idx_s)
        pltpu.sync_copy(dst_hbm.at[pl.ds(start, ng1)], idx_d)
        lax.fori_loop(0, n_w // 2, step, 0)
    drain(ng - 2, ng - 1)
    plsc.subcore_barrier()
    pltpu.sync_copy(acc.at[pl.ds(s * ROWS_T, ROWS_T)],
                    out_hbm.at[pl.ds(c * NP + s * ROWS_T, ROWS_T)])


def _make_agg(col_split, ngrp, ng):
    return functools.partial(
        pl.kernel,
        out_type=jax.ShapeDtypeStruct((2 * NP, 128), jnp.float32),
        mesh=_MESH,
        scratch_types=[
            pltpu.VMEM((ng if col_split else ng + NG_SKEW, CHUNK), jnp.int32),
            pltpu.VMEM((ng if col_split else ng + NG_SKEW, CHUNK), jnp.int32),
            pltpu.VMEM((CHUNK, 128), jnp.float32),
            pltpu.VMEM((CHUNK, 128), jnp.float32),
            pltpu.VMEM_SHARED((NP, 128), jnp.float32),
            pltpu.SemaphoreType.DMA,
            pltpu.SemaphoreType.DMA,
            pltpu.SemaphoreType.DMA,
            pltpu.SemaphoreType.DMA,
        ],
    )(functools.partial(_agg_body, col_split, ngrp, ng))


NGRP1 = 2
_agg1_kernel = _make_agg(True, NGRP1, NCH_B // NGRP1)
_agg2_kernel = _make_agg(False, 1, NCH_W)


def _dis(dA_ref, dB_ref):
    return lax.rsqrt(1.0 + dA_ref[...] + dB_ref[...])


def _mm1_body(x_ref, w1_ref, dA_ref, dB_ref, o_ref):
    y = jnp.dot(x_ref[...], w1_ref[...], preferred_element_type=jnp.float32)
    o_ref[0] = _dis(dA_ref, dB_ref) * y


_mm1 = pl.pallas_call(
    _mm1_body,
    grid=(2, NB),
    in_specs=[
        pl.BlockSpec((M_BLK, D_IN), lambda c, i: (i, 0)),
        pl.BlockSpec((D_IN, D_HID // 2), lambda c, i: (0, c)),
        pl.BlockSpec((M_BLK, 1), lambda c, i: (i, 0)),
        pl.BlockSpec((M_BLK, 1), lambda c, i: (i + NB, 0)),
    ],
    out_specs=pl.BlockSpec((1, M_BLK, D_HID // 2), lambda c, i: (c, i, 0)),
    out_shape=jax.ShapeDtypeStruct((2, NP, D_HID // 2), jnp.float32),
)


def _mm2_body(aA_ref, aB_ref, dA_ref, dB_ref, b1_ref, w2_ref, o_ref):
    dis = _dis(dA_ref, dB_ref)
    hA = jnp.maximum(dis * aA_ref[...] + b1_ref[0:1, : D_HID // 2], 0.0)
    hB = jnp.maximum(dis * aB_ref[...] + b1_ref[0:1, D_HID // 2:], 0.0)
    y = (jnp.dot(hA, w2_ref[: D_HID // 2], preferred_element_type=jnp.float32)
         + jnp.dot(hB, w2_ref[D_HID // 2:], preferred_element_type=jnp.float32))
    o_ref[...] = jnp.pad(dis * y, ((0, 0), (0, 128 - D_OUT)))


_mm2 = pl.pallas_call(
    _mm2_body,
    grid=(NB,),
    in_specs=[
        pl.BlockSpec((M_BLK, D_HID // 2), lambda i: (i, 0)),
        pl.BlockSpec((M_BLK, D_HID // 2), lambda i: (i + NB, 0)),
        pl.BlockSpec((M_BLK, 1), lambda i: (i, 0)),
        pl.BlockSpec((M_BLK, 1), lambda i: (i + NB, 0)),
        pl.BlockSpec((1, D_HID), lambda i: (0, 0)),
        pl.BlockSpec((D_HID, D_OUT), lambda i: (0, 0)),
    ],
    out_specs=pl.BlockSpec((M_BLK, 128), lambda i: (i, 0)),
    out_shape=jax.ShapeDtypeStruct((NP, 128), jnp.float32),
)


def _fin_body(aA_ref, aB_ref, y2_ref, dA_ref, dB_ref, b2_ref, o_ref):
    dis = _dis(dA_ref, dB_ref)
    agg = (aA_ref[:, :D_OUT] + aB_ref[:, :D_OUT] - y2_ref[:, :D_OUT])
    o_ref[...] = dis * agg + b2_ref[0:1, :]


_fin = pl.pallas_call(
    _fin_body,
    grid=(NB,),
    in_specs=[
        pl.BlockSpec((M_BLK, 128), lambda i: (i, 0)),
        pl.BlockSpec((M_BLK, 128), lambda i: (i + NB, 0)),
        pl.BlockSpec((M_BLK, 128), lambda i: (i, 0)),
        pl.BlockSpec((M_BLK, 1), lambda i: (i, 0)),
        pl.BlockSpec((M_BLK, 1), lambda i: (i + NB, 0)),
        pl.BlockSpec((1, D_OUT), lambda i: (0, 0)),
    ],
    out_specs=pl.BlockSpec((M_BLK, D_OUT), lambda i: (i, 0)),
    out_shape=jax.ShapeDtypeStruct((NP, D_OUT), jnp.float32),
)


def kernel(x, edge_index, W1, b1, W2, b2):
    src = edge_index[0].astype(jnp.int32)
    dst = edge_index[1].astype(jnp.int32)
    epad = jnp.full((EP - N_EDGES,), PAD, jnp.int32)
    srcp = jnp.concatenate([src, epad])
    dstp = jnp.concatenate([dst, epad])
    x_pad = jnp.concatenate(
        [x, jnp.zeros((NP - N_NODES, D_IN), jnp.float32)])

    dst_w = dstp.reshape(NSC * NTILE, NCH_W, CHUNK)
    src_w = srcp.reshape(NSC * NTILE, NCH_W, CHUNK)
    dst_f = dstp.reshape(EP // CHUNK, CHUNK)
    src_f = srcp.reshape(EP // CHUNK, CHUNK)

    zeros_slab = jnp.zeros((DEG_R, 128), jnp.float32)
    ident = jnp.arange(DEG_R, dtype=jnp.int32)

    deg = _deg_kernel(dst_w, zeros_slab, ident)
    degr = deg.reshape(2 * NP, 1)
    y1 = _mm1(x_pad, W1, degr, degr)
    acc1 = _agg1_kernel(y1, src_w, dst_w)
    y2 = _mm2(acc1, acc1, degr, degr, b1.reshape(1, D_HID), W2)
    acc2 = _agg2_kernel(y2, src_f, dst_f)
    out = _fin(acc2, acc2, y2, degr, degr, b2.reshape(1, D_OUT))
    return out[:N_NODES]

# --- scband reference (transcript-rebuilt; emitter-appended) ---
"""Pipeline reference for scband-gnn-11166914970011 (READ-ONLY COPY).

The authoritative reference and input builder live on the scoring server;
editing this copy changes nothing except your own understanding.
"""

import jax, jax.numpy as jnp
import numpy as np

N_NODES = 10000
N_EDGES = 160000
D_IN = 256
D_HID = 256
D_OUT = 64


def setup_inputs(seed: int = 0) -> dict:
    key = jax.random.key(seed)
    k1, k2, k3, k4, k5, k6 = jax.random.split(key, 6)
    x = jax.random.normal(k1, (N_NODES, D_IN), dtype=jnp.float32)
    edge_index = jax.random.randint(k2, (2, N_EDGES), 0, N_NODES, dtype=jnp.int64)
    # GCNConv weights (glorot-style scaling)
    W1 = jax.random.normal(k3, (D_IN, D_HID), dtype=jnp.float32) * (1.0 / np.sqrt(D_IN))
    b1 = jnp.zeros((D_HID,), dtype=jnp.float32)
    W2 = jax.random.normal(k4, (D_HID, D_OUT), dtype=jnp.float32) * (1.0 / np.sqrt(D_HID))
    b2 = jnp.zeros((D_OUT,), dtype=jnp.float32)
    return {"x": x, "edge_index": edge_index, "W1": W1, "b1": b1, "W2": W2, "b2": b2}


def _gcn_conv(x, src, dst, W, b, n_nodes):
    # x' = D^{-1/2} (A + I) D^{-1/2} X W + b  (symmetric normalization with self-loops)
    ones = jnp.ones_like(dst, dtype=x.dtype)
    deg = jax.ops.segment_sum(ones, dst, num_segments=n_nodes)
    deg_inv_sqrt = jnp.where(deg > 0, 1.0 / jnp.sqrt(deg), 0.0)
    norm = deg_inv_sqrt[src] * deg_inv_sqrt[dst]
    xw = x @ W
    msg = xw[src] * norm[:, None]
    out = jax.ops.segment_sum(msg, dst, num_segments=n_nodes)
    return out + b


def reference(x, edge_index, W1, b1, W2, b2):
    n_nodes = x.shape[0]
    loop = jnp.arange(n_nodes, dtype=edge_index.dtype)
    src = jnp.concatenate([edge_index[0], loop])
    dst = jnp.concatenate([edge_index[1], loop])
    h = _gcn_conv(x, src, dst, W1, b1, n_nodes)
    h = jax.nn.relu(h)
    # dropout is identity in eval mode (p=0.5, training=False)
    out = _gcn_conv(h, src, dst, W2, b2, n_nodes)
    return out

if __name__ == "__main__":
    import jax
    _d = setup_inputs()
    print(jax.jit(kernel)(*tuple(_d.values())))

</pallas_src>

<mosaic_0001>
#map = affine_map<(d0, d1) -> (0, 0)>
module attributes {stable_mosaic.version = 14 : i64} {
  func.func @_agg_body(%arg0: i32, %arg1: i32, %arg2: memref<10240x128xf32, #tpu.memory_space<hbm>>, %arg3: memref<1280x128xi32, #tpu.memory_space<hbm>>, %arg4: memref<1280x128xi32, #tpu.memory_space<hbm>>, %arg5: memref<20480x128xf32, #tpu.memory_space<hbm>>, %arg6: memref<56x128xi32, #tpu.memory_space<vmem>>, %arg7: memref<56x128xi32, #tpu.memory_space<vmem>>, %arg8: memref<128x128xf32, #tpu.memory_space<vmem>>, %arg9: memref<128x128xf32, #tpu.memory_space<vmem>>, %arg10: memref<10240x128xf32, #tpu.memory_space<vmem_shared>>, %arg11: memref<!tpu.dma_semaphore, #tpu.memory_space<semaphore_mem>>, %arg12: memref<!tpu.dma_semaphore, #tpu.memory_space<semaphore_mem>>, %arg13: memref<!tpu.dma_semaphore, #tpu.memory_space<semaphore_mem>>, %arg14: memref<!tpu.dma_semaphore, #tpu.memory_space<semaphore_mem>>) attributes {dimension_semantics = [#tpu.dimension_semantics<core_parallel>, #tpu.dimension_semantics<subcore_parallel>], iteration_bounds = array<i64: 2, 16>, scalar_prefetch = 0 : i64, scratch_operands = 9 : i64, tpu.core_type = #tpu.core_type<sc_vector_subcore>, window_params = [{transform_indices = #map}, {transform_indices = #map}, {transform_indices = #map}, {transform_indices = #map}]} {
    %mul3A = arith.constant 16 : i32
    %mul3A_0 = arith.muli %arg0, %mul3A : i32
    %add3A = arith.addi %mul3A_0, %arg1 : i32
    %mul3A_1 = arith.constant 640 : i32
    %mul3A_2 = arith.muli %arg1, %mul3A_1 : i32
    %mul3A_3 = arith.constant 640 : i32
    %mul3A_4 = arith.muli %arg1, %mul3A_3 : i32
    "tpu.region"() ({
      %run_scoped3A = tpu.sem_alloc : memref<!tpu.dma_semaphore, #tpu.memory_space<semaphore_mem>>
      %dma_start3A = arith.constant 0 : i32
      %dma_start3A_64 = tpu.memref_slice %arg10[%mul3A_4, %dma_start3A] : memref<10240x128xf32, #tpu.memory_space<vmem_shared>> -> memref<640x128xf32, #tpu.memory_space<vmem_shared>>
      %dma_start3A_65 = arith.constant 0 : i32
      %dma_start3A_66 = tpu.memref_slice %arg2[%mul3A_2, %dma_start3A_65] : memref<10240x128xf32, #tpu.memory_space<hbm>> -> memref<640x128xf32, #tpu.memory_space<hbm>>
      tpu.enqueue_dma source(%dma_start3A_66 : memref<640x128xf32, #tpu.memory_space<hbm>>) target(%dma_start3A_64 : memref<640x128xf32, #tpu.memory_space<vmem_shared>>) target_semaphore(%run_scoped3A : memref<!tpu.dma_semaphore, #tpu.memory_space<semaphore_mem>>)
      %dma_wait3A_67 = arith.constant 0 : i32
      %dma_wait3A_68 = tpu.memref_slice %arg10[%mul3A_4, %dma_wait3A_67] : memref<10240x128xf32, #tpu.memory_space<vmem_shared>> -> memref<640x128xf32, #tpu.memory_space<vmem_shared>>
      %dma_wait3A_69 = arith.constant 0 : i32
      %dma_wait3A_70 = tpu.memref_slice %arg2[%mul3A_2, %dma_wait3A_69] : memref<10240x128xf32, #tpu.memory_space<hbm>> -> memref<640x128xf32, #tpu.memory_space<hbm>>
      tpu.wait_dma2 semaphore(%run_scoped3A : memref<!tpu.dma_semaphore, #tpu.memory_space<semaphore_mem>>) src(%dma_wait3A_70 : memref<640x128xf32, #tpu.memory_space<hbm>>) dst(%dma_wait3A_68 : memref<640x128xf32, #tpu.memory_space<vmem_shared>>)
      tpu.yield
    }) : () -> ()
    %barrier3A = arith.constant 0 : index
    tpu.barrier barrier_id(%barrier3A)
    %eq3A = arith.constant 0 : i32
    %eq3A_5 = arith.cmpi eq, %arg0, %eq3A : i32
    %jit3A = arith.constant 24 : i32
    %jit3A_6 = arith.constant 56 : i32
    %select_n3A = arith.select %eq3A_5, %jit3A, %jit3A_6 : i32
    %eq3A_7 = arith.constant 0 : i32
    %eq3A_8 = arith.cmpi eq, %arg0, %eq3A_7 : i32
    %mul3A_9 = arith.constant 24 : i32
    %mul3A_10 = arith.muli %arg1, %mul3A_9 : i32
    %mul3A_11 = arith.constant 56 : i32
    %mul3A_12 = arith.muli %arg1, %mul3A_11 : i32
    %add3A_13 = arith.constant 384 : i32
    %add3A_14 = arith.addi %add3A_13, %mul3A_12 : i32
    %select_n3A_15 = arith.select %eq3A_8, %mul3A_10, %add3A_14 : i32
    %multiple_of3A = tpu.assume_multiple %select_n3A_15, 8 : i32
    "tpu.region"() ({
      %run_scoped3A = tpu.sem_alloc : memref<!tpu.dma_semaphore, #tpu.memory_space<semaphore_mem>>
      %dma_start3A = arith.constant 0 : i32
      %dma_start3A_64 = tpu.memref_slice %arg3[%multiple_of3A, %dma_start3A] : memref<1280x128xi32, #tpu.memory_space<hbm>> -> memref<56x128xi32, #tpu.memory_space<hbm>>
      %dma_start3A_65 = arith.constant 0 : i32
      %dma_start3A_66 = tpu.memref_slice %arg3[%multiple_of3A, %dma_start3A_65] : memref<1280x128xi32, #tpu.memory_space<hbm>> -> memref<56x128xi32, #tpu.memory_space<hbm>>
      tpu.enqueue_dma source(%dma_start3A_66 : memref<56x128xi32, #tpu.memory_space<hbm>>) target(%arg6 : memref<56x128xi32, #tpu.memory_space<vmem>>) target_semaphore(%run_scoped3A : memref<!tpu.dma_semaphore, #tpu.memory_space<semaphore_mem>>)
      %dma_wait3A_67 = arith.constant 0 : i32
      %dma_wait3A_68 = tpu.memref_slice %arg3[%multiple_of3A, %dma_wait3A_67] : memref<1280x128xi32, #tpu.memory_space<hbm>> -> memref<56x128xi32, #tpu.memory_space<hbm>>
      %dma_wait3A_69 = arith.constant 0 : i32
      %dma_wait3A_70 = tpu.memref_slice %arg3[%multiple_of3A, %dma_wait3A_69] : memref<1280x128xi32, #tpu.memory_space<hbm>> -> memref<56x128xi32, #tpu.memory_space<hbm>>
      tpu.wait_dma2 semaphore(%run_scoped3A : memref<!tpu.dma_semaphore, #tpu.memory_space<semaphore_mem>>) src(%dma_wait3A_70 : memref<56x128xi32, #tpu.memory_space<hbm>>) dst(%arg6 : memref<56x128xi32, #tpu.memory_space<vmem>>)
      tpu.yield
    }) : () -> ()
    "tpu.region"() ({
      %run_scoped3A = tpu.sem_alloc : memref<!tpu.dma_semaphore, #tpu.memory_space<semaphore_mem>>
      %dma_start3A = arith.constant 0 : i32
      %dma_start3A_64 = tpu.memref_slice %arg4[%multiple_of3A, %dma_start3A] : memref<1280x128xi32, #tpu.memory_space<hbm>> -> memref<56x128xi32, #tpu.memory_space<hbm>>
      %dma_start3A_65 = arith.constant 0 : i32
      %dma_start3A_66 = tpu.memref_slice %arg4[%multiple_of3A, %dma_start3A_65] : memref<1280x128xi32, #tpu.memory_space<hbm>> -> memref<56x128xi32, #tpu.memory_space<hbm>>
      tpu.enqueue_dma source(%dma_start3A_66 : memref<56x128xi32, #tpu.memory_space<hbm>>) target(%arg7 : memref<56x128xi32, #tpu.memory_space<vmem>>) target_semaphore(%run_scoped3A : memref<!tpu.dma_semaphore, #tpu.memory_space<semaphore_mem>>)
      %dma_wait3A_67 = arith.constant 0 : i32
      %dma_wait3A_68 = tpu.memref_slice %arg4[%multiple_of3A, %dma_wait3A_67] : memref<1280x128xi32, #tpu.memory_space<hbm>> -> memref<56x128xi32, #tpu.memory_space<hbm>>
      %dma_wait3A_69 = arith.constant 0 : i32
      %dma_wait3A_70 = tpu.memref_slice %arg4[%multiple_of3A, %dma_wait3A_69] : memref<1280x128xi32, #tpu.memory_space<hbm>> -> memref<56x128xi32, #tpu.memory_space<hbm>>
      tpu.wait_dma2 semaphore(%run_scoped3A : memref<!tpu.dma_semaphore, #tpu.memory_space<semaphore_mem>>) src(%dma_wait3A_70 : memref<56x128xi32, #tpu.memory_space<hbm>>) dst(%arg7 : memref<56x128xi32, #tpu.memory_space<vmem>>)
      tpu.yield
    }) : () -> ()
    %jit3A_16 = arith.constant 2 : i32
    %div3A = arith.divsi %select_n3A, %jit3A_16 : i32
    %sign3A = arith.constant 0 : i32
    %sign3A_17 = arith.cmpi sgt, %select_n3A, %sign3A : i32
    %sign3A_18 = arith.extui %sign3A_17 : i1 to i32
    %sign3A_19 = arith.constant 0 : i32
    %sign3A_20 = arith.cmpi slt, %select_n3A, %sign3A_19 : i32
    %sign3A_21 = arith.extui %sign3A_20 : i1 to i32
    %sign3A_22 = arith.subi %sign3A_18, %sign3A_21 : i32
    %sign3A_23 = arith.constant 0 : i32
    %sign3A_24 = arith.cmpi sgt, %jit3A_16, %sign3A_23 : i32
    %sign3A_25 = arith.extui %sign3A_24 : i1 to i32
    %sign3A_26 = arith.constant 0 : i32
    %sign3A_27 = arith.cmpi slt, %jit3A_16, %sign3A_26 : i32
    %sign3A_28 = arith.extui %sign3A_27 : i1 to i32
    %sign3A_29 = arith.subi %sign3A_25, %sign3A_28 : i32
    %ne3A = arith.cmpi ne, %sign3A_22, %sign3A_29 : i32
    %rem3A = arith.remsi %select_n3A, %jit3A_16 : i32
    %ne3A_30 = arith.constant 0 : i32
    %ne3A_31 = arith.cmpi ne, %rem3A, %ne3A_30 : i32
    %and3A = arith.andi %ne3A, %ne3A_31 : i1
    %sub3A = arith.constant 1 : i32
    %sub3A_32 = arith.subi %div3A, %sub3A : i32
    %select_n3A_33 = arith.select %and3A, %sub3A_32, %div3A : i32
    %while3A = arith.constant 0 : i32
    %while3A_34 = arith.constant 0 : i32
    %while3A_35 = arith.subi %select_n3A_33, %while3A_34 : i32
    %while3A_36 = arith.addi %while3A_34, %while3A_35 : i32
    %while3A_37 = arith.constant 1 : i32
    %while3A_38 = arith.divsi %while3A_35, %while3A_37 : i32
    %while3A_39 = arith.muli %while3A_38, %while3A_37 : i32
    %while3A_40 = arith.addi %while3A_34, %while3A_39 : i32
    %while3A_41 = arith.constant 1 : i32
    scf.for %while3A_64 = %while3A_34 to %while3A_40 step %while3A_41  : i32 {
      %mul3A_65 = arith.constant 2 : i32
      %mul3A_66 = arith.muli %mul3A_65, %while3A_64 : i32
      %gt3A = arith.constant 0 : i32
      %gt3A_67 = arith.cmpi sgt, %while3A_64, %gt3A : i32
      %convert_element_type3A = arith.extui %gt3A_67 : i1 to i32
      %cond3A = arith.constant 0 : i32
      %cond3A_68 = arith.cmpi ne, %convert_element_type3A, %cond3A : i32
      scf.if %cond3A_68 {
        %sub3A_108 = arith.constant 2 : i32
        %sub3A_109 = arith.subi %mul3A_66, %sub3A_108 : i32
        %sub3A_110 = arith.constant 1 : i32
        %sub3A_111 = arith.subi %mul3A_66, %sub3A_110 : i32
        %dma_wait3A_112 = arith.constant 0 : i32
        %dma_wait3A_113 = tpu.memref_slice %arg7[%sub3A_109, %dma_wait3A_112] : memref<56x128xi32, #tpu.memory_space<vmem>> -> memref<1x128xi32, #tpu.memory_space<vmem>>
        %dma_wait3A_114 = tpu.memref_squeeze %dma_wait3A_113 : memref<1x128xi32, #tpu.memory_space<vmem>> -> memref<128xi32, #tpu.memory_space<vmem>>
        %dma_wait3A_115 = arith.constant 0 : i32
        %dma_wait3A_116 = arith.constant 0 : i32
        %dma_wait3A_117 = tpu.memref_slice %arg10[%dma_wait3A_115, %dma_wait3A_116] : memref<10240x128xf32, #tpu.memory_space<vmem_shared>> -> memref<10240x128xf32, #tpu.memory_space<vmem_shared>>
        tpu.wait_indirect_dma semaphore(%arg13 : memref<!tpu.dma_semaphore, #tpu.memory_space<semaphore_mem>>) src(%arg8 : memref<128x128xf32, #tpu.memory_space<vmem>>) dst(%dma_wait3A_117 : memref<10240x128xf32, #tpu.memory_space<vmem_shared>>)
        %dma_wait3A_118 = arith.constant 0 : i32
        %dma_wait3A_119 = tpu.memref_slice %arg7[%sub3A_111, %dma_wait3A_118] : memref<56x128xi32, #tpu.memory_space<vmem>> -> memref<1x128xi32, #tpu.memory_space<vmem>>
        %dma_wait3A_120 = tpu.memref_squeeze %dma_wait3A_119 : memref<1x128xi32, #tpu.memory_space<vmem>> -> memref<128xi32, #tpu.memory_space<vmem>>
        %dma_wait3A_121 = arith.constant 0 : i32
        %dma_wait3A_122 = arith.constant 0 : i32
        %dma_wait3A_123 = tpu.memref_slice %arg10[%dma_wait3A_121, %dma_wait3A_122] : memref<10240x128xf32, #tpu.memory_space<vmem_shared>> -> memref<10240x128xf32, #tpu.memory_space<vmem_shared>>
        tpu.wait_indirect_dma semaphore(%arg14 : memref<!tpu.dma_semaphore, #tpu.memory_space<semaphore_mem>>) src(%arg9 : memref<128x128xf32, #tpu.memory_space<vmem>>) dst(%dma_wait3A_123 : memref<10240x128xf32, #tpu.memory_space<vmem_shared>>)
      } else {
      }
      %dma_start3A = arith.constant 0 : i32
      %dma_start3A_69 = tpu.memref_slice %arg6[%mul3A_66, %dma_start3A] : memref<56x128xi32, #tpu.memory_space<vmem>> -> memref<1x128xi32, #tpu.memory_space<vmem>>
      %dma_start3A_70 = tpu.memref_squeeze %dma_start3A_69 : memref<1x128xi32, #tpu.memory_space<vmem>> -> memref<128xi32, #tpu.memory_space<vmem>>
      %dma_start3A_71 = arith.constant 0 : i32
      %dma_start3A_72 = arith.constant 0 : i32
      %dma_start3A_73 = tpu.memref_slice %arg2[%dma_start3A_71, %dma_start3A_72] : memref<10240x128xf32, #tpu.memory_space<hbm>> -> memref<10240x128xf32, #tpu.memory_space<hbm>>
      tpu.enqueue_indirect_dma source(%dma_start3A_73 : memref<10240x128xf32, #tpu.memory_space<hbm>>) target(%arg8 : memref<128x128xf32, #tpu.memory_space<vmem>>) offsets(%dma_start3A_70 : memref<128xi32, #tpu.memory_space<vmem>>) semaphore(%arg11 : memref<!tpu.dma_semaphore, #tpu.memory_space<semaphore_mem>>)
      %add3A_74 = arith.constant 1 : i32
      %add3A_75 = arith.addi %mul3A_66, %add3A_74 : i32
      %dma_start3A_76 = arith.constant 0 : i32
      %dma_start3A_77 = tpu.memref_slice %arg6[%add3A_75, %dma_start3A_76] : memref<56x128xi32, #tpu.memory_space<vmem>> -> memref<1x128xi32, #tpu.memory_space<vmem>>
      %dma_start3A_78 = tpu.memref_squeeze %dma_start3A_77 : memref<1x128xi32, #tpu.memory_space<vmem>> -> memref<128xi32, #tpu.memory_space<vmem>>
      %dma_start3A_79 = arith.constant 0 : i32
      %dma_start3A_80 = arith.constant 0 : i32
      %dma_start3A_81 = tpu.memref_slice %arg2[%dma_start3A_79, %dma_start3A_80] : memref<10240x128xf32, #tpu.memory_space<hbm>> -> memref<10240x128xf32, #tpu.memory_space<hbm>>
      tpu.enqueue_indirect_dma source(%dma_start3A_81 : memref<10240x128xf32, #tpu.memory_space<hbm>>) target(%arg9 : memref<128x128xf32, #tpu.memory_space<vmem>>) offsets(%dma_start3A_78 : memref<128xi32, #tpu.memory_space<vmem>>) semaphore(%arg12 : memref<!tpu.dma_semaphore, #tpu.memory_space<semaphore_mem>>)
      %dma_wait3A_82 = arith.constant 0 : i32
      %dma_wait3A_83 = tpu.memref_slice %arg6[%mul3A_66, %dma_wait3A_82] : memref<56x128xi32, #tpu.memory_space<vmem>> -> memref<1x128xi32, #tpu.memory_space<vmem>>
      %dma_wait3A_84 = tpu.memref_squeeze %dma_wait3A_83 : memref<1x128xi32, #tpu.memory_space<vmem>> -> memref<128xi32, #tpu.memory_space<vmem>>
      %dma_wait3A_85 = arith.constant 0 : i32
      %dma_wait3A_86 = arith.constant 0 : i32
      %dma_wait3A_87 = tpu.memref_slice %arg2[%dma_wait3A_85, %dma_wait3A_86] : memref<10240x128xf32, #tpu.memory_space<hbm>> -> memref<10240x128xf32, #tpu.memory_space<hbm>>
      tpu.wait_indirect_dma semaphore(%arg11 : memref<!tpu.dma_semaphore, #tpu.memory_space<semaphore_mem>>) src(%dma_wait3A_87 : memref<10240x128xf32, #tpu.memory_space<hbm>>) dst(%arg8 : memref<128x128xf32, #tpu.memory_space<vmem>>)
      %dma_start3A_88 = arith.constant 0 : i32
      %dma_start3A_89 = tpu.memref_slice %arg7[%mul3A_66, %dma_start3A_88] : memref<56x128xi32, #tpu.memory_space<vmem>> -> memref<1x128xi32, #tpu.memory_space<vmem>>
      %dma_start3A_90 = tpu.memref_squeeze %dma_start3A_89 : memref<1x128xi32, #tpu.memory_space<vmem>> -> memref<128xi32, #tpu.memory_space<vmem>>
      %dma_start3A_91 = arith.constant 0 : i32
      %dma_start3A_92 = arith.constant 0 : i32
      %dma_start3A_93 = tpu.memref_slice %arg10[%dma_start3A_91, %dma_start3A_92] : memref<10240x128xf32, #tpu.memory_space<vmem_shared>> -> memref<10240x128xf32, #tpu.memory_space<vmem_shared>>
      tpu.enqueue_indirect_dma source(%arg8 : memref<128x128xf32, #tpu.memory_space<vmem>>) target(%dma_start3A_93 : memref<10240x128xf32, #tpu.memory_space<vmem_shared>>) offsets(%dma_start3A_90 : memref<128xi32, #tpu.memory_space<vmem>>) semaphore(%arg13 : memref<!tpu.dma_semaphore, #tpu.memory_space<semaphore_mem>>) {add = true}
      %dma_wait3A_94 = arith.constant 0 : i32
      %dma_wait3A_95 = tpu.memref_slice %arg6[%add3A_75, %dma_wait3A_94] : memref<56x128xi32, #tpu.memory_space<vmem>> -> memref<1x128xi32, #tpu.memory_space<vmem>>
      %dma_wait3A_96 = tpu.memref_squeeze %dma_wait3A_95 : memref<1x128xi32, #tpu.memory_space<vmem>> -> memref<128xi32, #tpu.memory_space<vmem>>
      %dma_wait3A_97 = arith.constant 0 : i32
      %dma_wait3A_98 = arith.constant 0 : i32
      %dma_wait3A_99 = tpu.memref_slice %arg2[%dma_wait3A_97, %dma_wait3A_98] : memref<10240x128xf32, #tpu.memory_space<hbm>> -> memref<10240x128xf32, #tpu.memory_space<hbm>>
      tpu.wait_indirect_dma semaphore(%arg12 : memref<!tpu.dma_semaphore, #tpu.memory_space<semaphore_mem>>) src(%dma_wait3A_99 : memref<10240x128xf32, #tpu.memory_space<hbm>>) dst(%arg9 : memref<128x128xf32, #tpu.memory_space<vmem>>)
      %add3A_100 = arith.constant 1 : i32
      %add3A_101 = arith.addi %mul3A_66, %add3A_100 : i32
      %dma_start3A_102 = arith.constant 0 : i32
      %dma_start3A_103 = tpu.memref_slice %arg7[%add3A_101, %dma_start3A_102] : memref<56x128xi32, #tpu.memory_space<vmem>> -> memref<1x128xi32, #tpu.memory_space<vmem>>
      %dma_start3A_104 = tpu.memref_squeeze %dma_start3A_103 : memref<1x128xi32, #tpu.memory_space<vmem>> -> memref<128xi32, #tpu.memory_space<vmem>>
      %dma_start3A_105 = arith.constant 0 : i32
      %dma_start3A_106 = arith.constant 0 : i32
      %dma_start3A_107 = tpu.memref_slice %arg10[%dma_start3A_105, %dma_start3A_106] : memref<10240x128xf32, #tpu.memory_space<vmem_shared>> -> memref<10240x128xf32, #tpu.memory_space<vmem_shared>>
      tpu.enqueue_indirect_dma source(%arg9 : memref<128x128xf32, #tpu.memory_space<vmem>>) target(%dma_start3A_107 : memref<10240x128xf32, #tpu.memory_space<vmem_shared>>) offsets(%dma_start3A_104 : memref<128xi32, #tpu.memory_space<vmem>>) semaphore(%arg14 : memref<!tpu.dma_semaphore, #tpu.memory_space<semaphore_mem>>) {add = true}
    }
    %while3A_42 = arith.constant 1 : i32
    scf.for %while3A_64 = %while3A_40 to %while3A_36 step %while3A_42  : i32 {
      %mul3A_65 = arith.constant 2 : i32
      %mul3A_66 = arith.muli %mul3A_65, %while3A_64 : i32
      %gt3A = arith.constant 0 : i32
      %gt3A_67 = arith.cmpi sgt, %while3A_64, %gt3A : i32
      %convert_element_type3A = arith.extui %gt3A_67 : i1 to i32
      %cond3A = arith.constant 0 : i32
      %cond3A_68 = arith.cmpi ne, %convert_element_type3A, %cond3A : i32
      scf.if %cond3A_68 {
        %sub3A_108 = arith.constant 2 : i32
        %sub3A_109 = arith.subi %mul3A_66, %sub3A_108 : i32
        %sub3A_110 = arith.constant 1 : i32
        %sub3A_111 = arith.subi %mul3A_66, %sub3A_110 : i32
        %dma_wait3A_112 = arith.constant 0 : i32
        %dma_wait3A_113 = tpu.memref_slice %arg7[%sub3A_109, %dma_wait3A_112] : memref<56x128xi32, #tpu.memory_space<vmem>> -> memref<1x128xi32, #tpu.memory_space<vmem>>
        %dma_wait3A_114 = tpu.memref_squeeze %dma_wait3A_113 : memref<1x128xi32, #tpu.memory_space<vmem>> -> memref<128xi32, #tpu.memory_space<vmem>>
        %dma_wait3A_115 = arith.constant 0 : i32
        %dma_wait3A_116 = arith.constant 0 : i32
        %dma_wait3A_117 = tpu.memref_slice %arg10[%dma_wait3A_115, %dma_wait3A_116] : memref<10240x128xf32, #tpu.memory_space<vmem_shared>> -> memref<10240x128xf32, #tpu.memory_space<vmem_shared>>
        tpu.wait_indirect_dma semaphore(%arg13 : memref<!tpu.dma_semaphore, #tpu.memory_space<semaphore_mem>>) src(%arg8 : memref<128x128xf32, #tpu.memory_space<vmem>>) dst(%dma_wait3A_117 : memref<10240x128xf32, #tpu.memory_space<vmem_shared>>)
        %dma_wait3A_118 = arith.constant 0 : i32
        %dma_wait3A_119 = tpu.memref_slice %arg7[%sub3A_111, %dma_wait3A_118] : memref<56x128xi32, #tpu.memory_space<vmem>> -> memref<1x128xi32, #tpu.memory_space<vmem>>
        %dma_wait3A_120 = tpu.memref_squeeze %dma_wait3A_119 : memref<1x128xi32, #tpu.memory_space<vmem>> -> memref<128xi32, #tpu.memory_space<vmem>>
        %dma_wait3A_121 = arith.constant 0 : i32
        %dma_wait3A_122 = arith.constant 0 : i32
        %dma_wait3A_123 = tpu.memref_slice %arg10[%dma_wait3A_121, %dma_wait3A_122] : memref<10240x128xf32, #tpu.memory_space<vmem_shared>> -> memref<10240x128xf32, #tpu.memory_space<vmem_shared>>
        tpu.wait_indirect_dma semaphore(%arg14 : memref<!tpu.dma_semaphore, #tpu.memory_space<semaphore_mem>>) src(%arg9 : memref<128x128xf32, #tpu.memory_space<vmem>>) dst(%dma_wait3A_123 : memref<10240x128xf32, #tpu.memory_space<vmem_shared>>)
      } else {
      }
      %dma_start3A = arith.constant 0 : i32
      %dma_start3A_69 = tpu.memref_slice %arg6[%mul3A_66, %dma_start3A] : memref<56x128xi32, #tpu.memory_space<vmem>> -> memref<1x128xi32, #tpu.memory_space<vmem>>
      %dma_start3A_70 = tpu.memref_squeeze %dma_start3A_69 : memref<1x128xi32, #tpu.memory_space<vmem>> -> memref<128xi32, #tpu.memory_space<vmem>>
      %dma_start3A_71 = arith.constant 0 : i32
      %dma_start3A_72 = arith.constant 0 : i32
      %dma_start3A_73 = tpu.memref_slice %arg2[%dma_start3A_71, %dma_start3A_72] : memref<10240x128xf32, #tpu.memory_space<hbm>> -> memref<10240x128xf32, #tpu.memory_space<hbm>>
      tpu.enqueue_indirect_dma source(%dma_start3A_73 : memref<10240x128xf32, #tpu.memory_space<hbm>>) target(%arg8 : memref<128x128xf32, #tpu.memory_space<vmem>>) offsets(%dma_start3A_70 : memref<128xi32, #tpu.memory_space<vmem>>) semaphore(%arg11 : memref<!tpu.dma_semaphore, #tpu.memory_space<semaphore_mem>>)
      %add3A_74 = arith.constant 1 : i32
      %add3A_75 = arith.addi %mul3A_66, %add3A_74 : i32
      %dma_start3A_76 = arith.constant 0 : i32
      %dma_start3A_77 = tpu.memref_slice %arg6[%add3A_75, %dma_start3A_76] : memref<56x128xi32, #tpu.memory_space<vmem>> -> memref<1x128xi32, #tpu.memory_space<vmem>>
      %dma_start3A_78 = tpu.memref_squeeze %dma_start3A_77 : memref<1x128xi32, #tpu.memory_space<vmem>> -> memref<128xi32, #tpu.memory_space<vmem>>
      %dma_start3A_79 = arith.constant 0 : i32
      %dma_start3A_80 = arith.constant 0 : i32
      %dma_start3A_81 = tpu.memref_slice %arg2[%dma_start3A_79, %dma_start3A_80] : memref<10240x128xf32, #tpu.memory_space<hbm>> -> memref<10240x128xf32, #tpu.memory_space<hbm>>
      tpu.enqueue_indirect_dma source(%dma_start3A_81 : memref<10240x128xf32, #tpu.memory_space<hbm>>) target(%arg9 : memref<128x128xf32, #tpu.memory_space<vmem>>) offsets(%dma_start3A_78 : memref<128xi32, #tpu.memory_space<vmem>>) semaphore(%arg12 : memref<!tpu.dma_semaphore, #tpu.memory_space<semaphore_mem>>)
      %dma_wait3A_82 = arith.constant 0 : i32
      %dma_wait3A_83 = tpu.memref_slice %arg6[%mul3A_66, %dma_wait3A_82] : memref<56x128xi32, #tpu.memory_space<vmem>> -> memref<1x128xi32, #tpu.memory_space<vmem>>
      %dma_wait3A_84 = tpu.memref_squeeze %dma_wait3A_83 : memref<1x128xi32, #tpu.memory_space<vmem>> -> memref<128xi32, #tpu.memory_space<vmem>>
      %dma_wait3A_85 = arith.constant 0 : i32
      %dma_wait3A_86 = arith.constant 0 : i32
      %dma_wait3A_87 = tpu.memref_slice %arg2[%dma_wait3A_85, %dma_wait3A_86] : memref<10240x128xf32, #tpu.memory_space<hbm>> -> memref<10240x128xf32, #tpu.memory_space<hbm>>
      tpu.wait_indirect_dma semaphore(%arg11 : memref<!tpu.dma_semaphore, #tpu.memory_space<semaphore_mem>>) src(%dma_wait3A_87 : memref<10240x128xf32, #tpu.memory_space<hbm>>) dst(%arg8 : memref<128x128xf32, #tpu.memory_space<vmem>>)
      %dma_start3A_88 = arith.constant 0 : i32
      %dma_start3A_89 = tpu.memref_slice %arg7[%mul3A_66, %dma_start3A_88] : memref<56x128xi32, #tpu.memory_space<vmem>> -> memref<1x128xi32, #tpu.memory_space<vmem>>
      %dma_start3A_90 = tpu.memref_squeeze %dma_start3A_89 : memref<1x128xi32, #tpu.memory_space<vmem>> -> memref<128xi32, #tpu.memory_space<vmem>>
      %dma_start3A_91 = arith.constant 0 : i32
      %dma_start3A_92 = arith.constant 0 : i32
      %dma_start3A_93 = tpu.memref_slice %arg10[%dma_start3A_91, %dma_start3A_92] : memref<10240x128xf32, #tpu.memory_space<vmem_shared>> -> memref<10240x128xf32, #tpu.memory_space<vmem_shared>>
      tpu.enqueue_indirect_dma source(%arg8 : memref<128x128xf32, #tpu.memory_space<vmem>>) target(%dma_start3A_93 : memref<10240x128xf32, #tpu.memory_space<vmem_shared>>) offsets(%dma_start3A_90 : memref<128xi32, #tpu.memory_space<vmem>>) semaphore(%arg13 : memref<!tpu.dma_semaphore, #tpu.memory_space<semaphore_mem>>) {add = true}
      %dma_wait3A_94 = arith.constant 0 : i32
      %dma_wait3A_95 = tpu.memref_slice %arg6[%add3A_75, %dma_wait3A_94] : memref<56x128xi32, #tpu.memory_space<vmem>> -> memref<1x128xi32, #tpu.memory_space<vmem>>
      %dma_wait3A_96 = tpu.memref_squeeze %dma_wait3A_95 : memref<1x128xi32, #tpu.memory_space<vmem>> -> memref<128xi32, #tpu.memory_space<vmem>>
      %dma_wait3A_97 = arith.constant 0 : i32
      %dma_wait3A_98 = arith.constant 0 : i32
      %dma_wait3A_99 = tpu.memref_slice %arg2[%dma_wait3A_97, %dma_wait3A_98] : memref<10240x128xf32, #tpu.memory_space<hbm>> -> memref<10240x128xf32, #tpu.memory_space<hbm>>
      tpu.wait_indirect_dma semaphore(%arg12 : memref<!tpu.dma_semaphore, #tpu.memory_space<semaphore_mem>>) src(%dma_wait3A_99 : memref<10240x128xf32, #tpu.memory_space<hbm>>) dst(%arg9 : memref<128x128xf32, #tpu.memory_space<vmem>>)
      %add3A_100 = arith.constant 1 : i32
      %add3A_101 = arith.addi %mul3A_66, %add3A_100 : i32
      %dma_start3A_102 = arith.constant 0 : i32
      %dma_start3A_103 = tpu.memref_slice %arg7[%add3A_101, %dma_start3A_102] : memref<56x128xi32, #tpu.memory_space<vmem>> -> memref<1x128xi32, #tpu.memory_space<vmem>>
      %dma_start3A_104 = tpu.memref_squeeze %dma_start3A_103 : memref<1x128xi32, #tpu.memory_space<vmem>> -> memref<128xi32, #tpu.memory_space<vmem>>
      %dma_start3A_105 = arith.constant 0 : i32
      %dma_start3A_106 = arith.constant 0 : i32
      %dma_start3A_107 = tpu.memref_slice %arg10[%dma_start3A_105, %dma_start3A_106] : memref<10240x128xf32, #tpu.memory_space<vmem_shared>> -> memref<10240x128xf32, #tpu.memory_space<vmem_shared>>
      tpu.enqueue_indirect_dma source(%arg9 : memref<128x128xf32, #tpu.memory_space<vmem>>) target(%dma_start3A_107 : memref<10240x128xf32, #tpu.memory_space<vmem_shared>>) offsets(%dma_start3A_104 : memref<128xi32, #tpu.memory_space<vmem>>) semaphore(%arg14 : memref<!tpu.dma_semaphore, #tpu.memory_space<semaphore_mem>>) {add = true}
    }
    %dma_wait3A = arith.constant 38 : i32
    %dma_wait3A_43 = arith.constant 0 : i32
    %dma_wait3A_44 = tpu.memref_slice %arg7[%dma_wait3A, %dma_wait3A_43] : memref<56x128xi32, #tpu.memory_space<vmem>> -> memref<1x128xi32, #tpu.memory_space<vmem>>
    %dma_wait3A_45 = tpu.memref_squeeze %dma_wait3A_44 : memref<1x128xi32, #tpu.memory_space<vmem>> -> memref<128xi32, #tpu.memory_space<vmem>>
    %dma_wait3A_46 = arith.constant 0 : i32
    %dma_wait3A_47 = arith.constant 0 : i32
    %dma_wait3A_48 = tpu.memref_slice %arg10[%dma_wait3A_46, %dma_wait3A_47] : memref<10240x128xf32, #tpu.memory_space<vmem_shared>> -> memref<10240x128xf32, #tpu.memory_space<vmem_shared>>
    tpu.wait_indirect_dma semaphore(%arg13 : memref<!tpu.dma_semaphore, #tpu.memory_space<semaphore_mem>>) src(%arg8 : memref<128x128xf32, #tpu.memory_space<vmem>>) dst(%dma_wait3A_48 : memref<10240x128xf32, #tpu.memory_space<vmem_shared>>)
    %dma_wait3A_49 = arith.constant 39 : i32
    %dma_wait3A_50 = arith.constant 0 : i32
    %dma_wait3A_51 = tpu.memref_slice %arg7[%dma_wait3A_49, %dma_wait3A_50] : memref<56x128xi32, #tpu.memory_space<vmem>> -> memref<1x128xi32, #tpu.memory_space<vmem>>
    %dma_wait3A_52 = tpu.memref_squeeze %dma_wait3A_51 : memref<1x128xi32, #tpu.memory_space<vmem>> -> memref<128xi32, #tpu.memory_space<vmem>>
    %dma_wait3A_53 = arith.constant 0 : i32
    %dma_wait3A_54 = arith.constant 0 : i32
    %dma_wait3A_55 = tpu.memref_slice %arg10[%dma_wait3A_53, %dma_wait3A_54] : memref<10240x128xf32, #tpu.memory_space<vmem_shared>> -> memref<10240x128xf32, #tpu.memory_space<vmem_shared>>
    tpu.wait_indirect_dma semaphore(%arg14 : memref<!tpu.dma_semaphore, #tpu.memory_space<semaphore_mem>>) src(%arg9 : memref<128x128xf32, #tpu.memory_space<vmem>>) dst(%dma_wait3A_55 : memref<10240x128xf32, #tpu.memory_space<vmem_shared>>)
    %barrier3A_56 = arith.constant 0 : index
    tpu.barrier barrier_id(%barrier3A_56)
    %mul3A_57 = arith.constant 640 : i32
    %mul3A_58 = arith.muli %arg1, %mul3A_57 : i32
    %mul3A_59 = arith.constant 10240 : i32
    %mul3A_60 = arith.muli %arg0, %mul3A_59 : i32
    %mul3A_61 = arith.constant 640 : i32
    %mul3A_62 = arith.muli %arg1, %mul3A_61 : i32
    %add3A_63 = arith.addi %mul3A_60, %mul3A_62 : i32
    "tpu.region"() ({
      %run_scoped3A = tpu.sem_alloc : memref<!tpu.dma_semaphore, #tpu.memory_space<semaphore_mem>>
      %dma_start3A = arith.constant 0 : i32
      %dma_start3A_64 = tpu.memref_slice %arg5[%add3A_63, %dma_start3A] : memref<20480x128xf32, #tpu.memory_space<hbm>> -> memref<640x128xf32, #tpu.memory_space<hbm>>
      %dma_start3A_65 = arith.constant 0 : i32
      %dma_start3A_66 = tpu.memref_slice %arg10[%mul3A_58, %dma_start3A_65] : memref<10240x128xf32, #tpu.memory_space<vmem_shared>> -> memref<640x128xf32, #tpu.memory_space<vmem_shared>>
      tpu.enqueue_dma source(%dma_start3A_66 : memref<640x128xf32, #tpu.memory_space<vmem_shared>>) target(%dma_start3A_64 : memref<640x128xf32, #tpu.memory_space<hbm>>) target_semaphore(%run_scoped3A : memref<!tpu.dma_semaphore, #tpu.memory_space<semaphore_mem>>)
      %dma_wait3A_67 = arith.constant 0 : i32
      %dma_wait3A_68 = tpu.memref_slice %arg5[%add3A_63, %dma_wait3A_67] : memref<20480x128xf32, #tpu.memory_space<hbm>> -> memref<640x128xf32, #tpu.memory_space<hbm>>
      %dma_wait3A_69 = arith.constant 0 : i32
      %dma_wait3A_70 = tpu.memref_slice %arg10[%mul3A_58, %dma_wait3A_69] : memref<10240x128xf32, #tpu.memory_space<vmem_shared>> -> memref<640x128xf32, #tpu.memory_space<vmem_shared>>
      tpu.wait_dma2 semaphore(%run_scoped3A : memref<!tpu.dma_semaphore, #tpu.memory_space<semaphore_mem>>) src(%dma_wait3A_70 : memref<640x128xf32, #tpu.memory_space<vmem_shared>>) dst(%dma_wait3A_68 : memref<640x128xf32, #tpu.memory_space<hbm>>)
      tpu.yield
    }) : () -> ()
    return
  }
}

#map = affine_map<(d0, d1) -> (0, 0, 0)>
#map1 = affine_map<(d0, d1) -> (0, 0)>
#map2 = affine_map<(d0, d1) -> (0)>
module attributes {stable_mosaic.version = 14 : i64} {
  func.func @_deg_body(%arg0: i32, %arg1: i32, %arg2: memref<32x40x128xi32, #tpu.memory_space<hbm>>, %arg3: memref<80x128xf32, #tpu.memory_space<hbm>>, %arg4: memref<80xi32, #tpu.memory_space<hbm>>, %arg5: memref<160x128xf32, #tpu.memory_space<hbm>>, %arg6: memref<40x128xi32, #tpu.memory_space<vmem>>, %arg7: memref<80x128xf32, #tpu.memory_space<vmem>>, %arg8: memref<80xi32, #tpu.memory_space<vmem>>, %arg9: memref<80x128xf32, #tpu.memory_space<vmem_shared>>) attributes {dimension_semantics = [#tpu.dimension_semantics<core_parallel>, #tpu.dimension_semantics<subcore_parallel>], iteration_bounds = array<i64: 2, 16>, scalar_prefetch = 0 : i64, scratch_operands = 4 : i64, tpu.core_type = #tpu.core_type<sc_vector_subcore>, window_params = [{transform_indices = #map}, {transform_indices = #map1}, {transform_indices = #map2}, {transform_indices = #map1}]} {
    %mul3A = arith.constant 16 : i32
    %mul3A_0 = arith.muli %arg0, %mul3A : i32
    %add3A = arith.addi %mul3A_0, %arg1 : i32
    "tpu.region"() ({
      %run_scoped3A = tpu.sem_alloc : memref<!tpu.dma_semaphore, #tpu.memory_space<semaphore_mem>>
      %dma_start3A = arith.constant 0 : i32
      %dma_start3A_15 = arith.constant 0 : i32
      %dma_start3A_16 = tpu.memref_slice %arg2[%add3A, %dma_start3A, %dma_start3A_15] : memref<32x40x128xi32, #tpu.memory_space<hbm>> -> memref<1x40x128xi32, #tpu.memory_space<hbm>>
      %dma_start3A_17 = tpu.memref_squeeze %dma_start3A_16 : memref<1x40x128xi32, #tpu.memory_space<hbm>> -> memref<40x128xi32, #tpu.memory_space<hbm>>
      %dma_start3A_18 = arith.constant 0 : i32
      %dma_start3A_19 = arith.constant 0 : i32
      %dma_start3A_20 = tpu.memref_slice %arg2[%add3A, %dma_start3A_18, %dma_start3A_19] : memref<32x40x128xi32, #tpu.memory_space<hbm>> -> memref<1x40x128xi32, #tpu.memory_space<hbm>>
      %dma_start3A_21 = tpu.memref_squeeze %dma_start3A_20 : memref<1x40x128xi32, #tpu.memory_space<hbm>> -> memref<40x128xi32, #tpu.memory_space<hbm>>
      tpu.enqueue_dma source(%dma_start3A_21 : memref<40x128xi32, #tpu.memory_space<hbm>>) target(%arg6 : memref<40x128xi32, #tpu.memory_space<vmem>>) target_semaphore(%run_scoped3A : memref<!tpu.dma_semaphore, #tpu.memory_space<semaphore_mem>>)
      %dma_wait3A = arith.constant 0 : i32
      %dma_wait3A_22 = arith.constant 0 : i32
      %dma_wait3A_23 = tpu.memref_slice %arg2[%add3A, %dma_wait3A, %dma_wait3A_22] : memref<32x40x128xi32, #tpu.memory_space<hbm>> -> memref<1x40x128xi32, #tpu.memory_space<hbm>>
      %dma_wait3A_24 = tpu.memref_squeeze %dma_wait3A_23 : memref<1x40x128xi32, #tpu.memory_space<hbm>> -> memref<40x128xi32, #tpu.memory_space<hbm>>
      %dma_wait3A_25 = arith.constant 0 : i32
      %dma_wait3A_26 = arith.constant 0 : i32
      %dma_wait3A_27 = tpu.memref_slice %arg2[%add3A, %dma_wait3A_25, %dma_wait3A_26] : memref<32x40x128xi32, #tpu.memory_space<hbm>> -> memref<1x40x128xi32, #tpu.memory_space<hbm>>
      %dma_wait3A_28 = tpu.memref_squeeze %dma_wait3A_27 : memref<1x40x128xi32, #tpu.memory_space<hbm>> -> memref<40x128xi32, #tpu.memory_space<hbm>>
      tpu.wait_dma2 semaphore(%run_scoped3A : memref<!tpu.dma_semaphore, #tpu.memory_space<semaphore_mem>>) src(%dma_wait3A_28 : memref<40x128xi32, #tpu.memory_space<hbm>>) dst(%arg6 : memref<40x128xi32, #tpu.memory_space<vmem>>)
      tpu.yield
    }) : () -> ()
    "tpu.region"() ({
      %run_scoped3A = tpu.sem_alloc : memref<!tpu.dma_semaphore, #tpu.memory_space<semaphore_mem>>
      tpu.enqueue_dma source(%arg3 : memref<80x128xf32, #tpu.memory_space<hbm>>) target(%arg7 : memref<80x128xf32, #tpu.memory_space<vmem>>) target_semaphore(%run_scoped3A : memref<!tpu.dma_semaphore, #tpu.memory_space<semaphore_mem>>)
      tpu.wait_dma2 semaphore(%run_scoped3A : memref<!tpu.dma_semaphore, #tpu.memory_space<semaphore_mem>>) src(%arg3 : memref<80x128xf32, #tpu.memory_space<hbm>>) dst(%arg7 : memref<80x128xf32, #tpu.memory_space<vmem>>)
      tpu.yield
    }) : () -> ()
    "tpu.region"() ({
      %run_scoped3A = tpu.sem_alloc : memref<!tpu.dma_semaphore, #tpu.memory_space<semaphore_mem>>
      tpu.enqueue_dma source(%arg4 : memref<80xi32, #tpu.memory_space<hbm>>) target(%arg8 : memref<80xi32, #tpu.memory_space<vmem>>) target_semaphore(%run_scoped3A : memref<!tpu.dma_semaphore, #tpu.memory_space<semaphore_mem>>)
      tpu.wait_dma2 semaphore(%run_scoped3A : memref<!tpu.dma_semaphore, #tpu.memory_space<semaphore_mem>>) src(%arg4 : memref<80xi32, #tpu.memory_space<hbm>>) dst(%arg8 : memref<80xi32, #tpu.memory_space<vmem>>)
      tpu.yield
    }) : () -> ()
    %lt3A = arith.constant 10 : i32
    %lt3A_1 = arith.cmpi slt, %arg1, %lt3A : i32
    %convert_element_type3A = arith.extui %lt3A_1 : i1 to i32
    %cond3A = arith.constant 0 : i32
    %cond3A_2 = arith.cmpi ne, %convert_element_type3A, %cond3A : i32
    scf.if %cond3A_2 {
      %mul3A_15 = arith.constant 8 : i32
      %mul3A_16 = arith.muli %arg1, %mul3A_15 : i32
      %mul3A_17 = arith.constant 8 : i32
      %mul3A_18 = arith.muli %arg1, %mul3A_17 : i32
      "tpu.region"() ({
        %run_scoped3A = tpu.sem_alloc : memref<!tpu.dma_semaphore, #tpu.memory_space<semaphore_mem>>
        %dma_start3A = arith.constant 0 : i32
        %dma_start3A_19 = tpu.memref_slice %arg9[%mul3A_18, %dma_start3A] : memref<80x128xf32, #tpu.memory_space<vmem_shared>> -> memref<8x128xf32, #tpu.memory_space<vmem_shared>>
        %dma_start3A_20 = arith.constant 0 : i32
        %dma_start3A_21 = tpu.memref_slice %arg3[%mul3A_16, %dma_start3A_20] : memref<80x128xf32, #tpu.memory_space<hbm>> -> memref<8x128xf32, #tpu.memory_space<hbm>>
        tpu.enqueue_dma source(%dma_start3A_21 : memref<8x128xf32, #tpu.memory_space<hbm>>) target(%dma_start3A_19 : memref<8x128xf32, #tpu.memory_space<vmem_shared>>) target_semaphore(%run_scoped3A : memref<!tpu.dma_semaphore, #tpu.memory_space<semaphore_mem>>)
        %dma_wait3A = arith.constant 0 : i32
        %dma_wait3A_22 = tpu.memref_slice %arg9[%mul3A_18, %dma_wait3A] : memref<80x128xf32, #tpu.memory_space<vmem_shared>> -> memref<8x128xf32, #tpu.memory_space<vmem_shared>>
        %dma_wait3A_23 = arith.constant 0 : i32
        %dma_wait3A_24 = tpu.memref_slice %arg3[%mul3A_16, %dma_wait3A_23] : memref<80x128xf32, #tpu.memory_space<hbm>> -> memref<8x128xf32, #tpu.memory_space<hbm>>
        tpu.wait_dma2 semaphore(%run_scoped3A : memref<!tpu.dma_semaphore, #tpu.memory_space<semaphore_mem>>) src(%dma_wait3A_24 : memref<8x128xf32, #tpu.memory_space<hbm>>) dst(%dma_wait3A_22 : memref<8x128xf32, #tpu.memory_space<vmem_shared>>)
        tpu.yield
      }) : () -> ()
    } else {
    }
    %barrier3A = arith.constant 0 : index
    tpu.barrier barrier_id(%barrier3A)
    %broadcast_in_dim3A = arith.constant 1.000000e+00 : f32
    %broadcast_in_dim3A_3 = vector.broadcast %broadcast_in_dim3A : f32 to vector<16xf32>
    %scan3A = arith.constant 0 : i32
    %scan3A_4 = arith.constant 0 : i32
    %scan3A_5 = arith.constant 40 : i32
    %scan3A_6 = arith.addi %scan3A_4, %scan3A_5 : i32
    %scan3A_7 = arith.constant 1 : i32
    scf.for %scan3A_15 = %scan3A_4 to %scan3A_6 step %scan3A_7  : i32 {
      %get3A = arith.index_cast %scan3A_15 : i32 to index
      %get3A_16 = arith.constant 0 : index
      %get3A_17 = tpu.vector_load %arg6[%get3A, %get3A_16] {strides = array<i32>} : memref<40x128xi32, #tpu.memory_space<vmem>>, vector<16xi32>,
      %shift_right_logical3A = arith.constant 7 : i32
      %shift_right_logical3A_18 = vector.broadcast %shift_right_logical3A : i32 to vector<16xi32>
      %shift_right_logical3A_19 = arith.shrui %get3A_17, %shift_right_logical3A_18 : vector<16xi32>
      %and3A = arith.constant 127 : i32
      %and3A_20 = vector.broadcast %and3A : i32 to vector<16xi32>
      %and3A_21 = arith.andi %get3A_17, %and3A_20 : vector<16xi32>
      tpu.vector_store_idx %arg7[%shift_right_logical3A_19, %and3A_21], %broadcast_in_dim3A_3 {add = true} : memref<80x128xf32, #tpu.memory_space<vmem>>[vector<16xi32>, vector<16xi32>], vector<16xf32>,
      %get3A_22 = arith.index_cast %scan3A_15 : i32 to index
      %get3A_23 = arith.constant 16 : index
      %get3A_24 = tpu.vector_load %arg6[%get3A_22, %get3A_23] {strides = array<i32>} : memref<40x128xi32, #tpu.memory_space<vmem>>, vector<16xi32>,
      %shift_right_logical3A_25 = arith.constant 7 : i32
      %shift_right_logical3A_26 = vector.broadcast %shift_right_logical3A_25 : i32 to vector<16xi32>
      %shift_right_logical3A_27 = arith.shrui %get3A_24, %shift_right_logical3A_26 : vector<16xi32>
      %and3A_28 = arith.constant 127 : i32
      %and3A_29 = vector.broadcast %and3A_28 : i32 to vector<16xi32>
      %and3A_30 = arith.andi %get3A_24, %and3A_29 : vector<16xi32>
      tpu.vector_store_idx %arg7[%shift_right_logical3A_27, %and3A_30], %broadcast_in_dim3A_3 {add = true} : memref<80x128xf32, #tpu.memory_space<vmem>>[vector<16xi32>, vector<16xi32>], vector<16xf32>,
      %get3A_31 = arith.index_cast %scan3A_15 : i32 to index
      %get3A_32 = arith.constant 32 : index
      %get3A_33 = tpu.vector_load %arg6[%get3A_31, %get3A_32] {strides = array<i32>} : memref<40x128xi32, #tpu.memory_space<vmem>>, vector<16xi32>,
      %shift_right_logical3A_34 = arith.constant 7 : i32
      %shift_right_logical3A_35 = vector.broadcast %shift_right_logical3A_34 : i32 to vector<16xi32>
      %shift_right_logical3A_36 = arith.shrui %get3A_33, %shift_right_logical3A_35 : vector<16xi32>
      %and3A_37 = arith.constant 127 : i32
      %and3A_38 = vector.broadcast %and3A_37 : i32 to vector<16xi32>
      %and3A_39 = arith.andi %get3A_33, %and3A_38 : vector<16xi32>
      tpu.vector_store_idx %arg7[%shift_right_logical3A_36, %and3A_39], %broadcast_in_dim3A_3 {add = true} : memref<80x128xf32, #tpu.memory_space<vmem>>[vector<16xi32>, vector<16xi32>], vector<16xf32>,
      %get3A_40 = arith.index_cast %scan3A_15 : i32 to index
      %get3A_41 = arith.constant 48 : index
      %get3A_42 = tpu.vector_load %arg6[%get3A_40, %get3A_41] {strides = array<i32>} : memref<40x128xi32, #tpu.memory_space<vmem>>, vector<16xi32>,
      %shift_right_logical3A_43 = arith.constant 7 : i32
      %shift_right_logical3A_44 = vector.broadcast %shift_right_logical3A_43 : i32 to vector<16xi32>
      %shift_right_logical3A_45 = arith.shrui %get3A_42, %shift_right_logical3A_44 : vector<16xi32>
      %and3A_46 = arith.constant 127 : i32
      %and3A_47 = vector.broadcast %and3A_46 : i32 to vector<16xi32>
      %and3A_48 = arith.andi %get3A_42, %and3A_47 : vector<16xi32>
      tpu.vector_store_idx %arg7[%shift_right_logical3A_45, %and3A_48], %broadcast_in_dim3A_3 {add = true} : memref<80x128xf32, #tpu.memory_space<vmem>>[vector<16xi32>, vector<16xi32>], vector<16xf32>,
      %get3A_49 = arith.index_cast %scan3A_15 : i32 to index
      %get3A_50 = arith.constant 64 : index
      %get3A_51 = tpu.vector_load %arg6[%get3A_49, %get3A_50] {strides = array<i32>} : memref<40x128xi32, #tpu.memory_space<vmem>>, vector<16xi32>,
      %shift_right_logical3A_52 = arith.constant 7 : i32
      %shift_right_logical3A_53 = vector.broadcast %shift_right_logical3A_52 : i32 to vector<16xi32>
      %shift_right_logical3A_54 = arith.shrui %get3A_51, %shift_right_logical3A_53 : vector<16xi32>
      %and3A_55 = arith.constant 127 : i32
      %and3A_56 = vector.broadcast %and3A_55 : i32 to vector<16xi32>
      %and3A_57 = arith.andi %get3A_51, %and3A_56 : vector<16xi32>
      tpu.vector_store_idx %arg7[%shift_right_logical3A_54, %and3A_57], %broadcast_in_dim3A_3 {add = true} : memref<80x128xf32, #tpu.memory_space<vmem>>[vector<16xi32>, vector<16xi32>], vector<16xf32>,
      %get3A_58 = arith.index_cast %scan3A_15 : i32 to index
      %get3A_59 = arith.constant 80 : index
      %get3A_60 = tpu.vector_load %arg6[%get3A_58, %get3A_59] {strides = array<i32>} : memref<40x128xi32, #tpu.memory_space<vmem>>, vector<16xi32>,
      %shift_right_logical3A_61 = arith.constant 7 : i32
      %shift_right_logical3A_62 = vector.broadcast %shift_right_logical3A_61 : i32 to vector<16xi32>
      %shift_right_logical3A_63 = arith.shrui %get3A_60, %shift_right_logical3A_62 : vector<16xi32>
      %and3A_64 = arith.constant 127 : i32
      %and3A_65 = vector.broadcast %and3A_64 : i32 to vector<16xi32>
      %and3A_66 = arith.andi %get3A_60, %and3A_65 : vector<16xi32>
      tpu.vector_store_idx %arg7[%shift_right_logical3A_63, %and3A_66], %broadcast_in_dim3A_3 {add = true} : memref<80x128xf32, #tpu.memory_space<vmem>>[vector<16xi32>, vector<16xi32>], vector<16xf32>,
      %get3A_67 = arith.index_cast %scan3A_15 : i32 to index
      %get3A_68 = arith.constant 96 : index
      %get3A_69 = tpu.vector_load %arg6[%get3A_67, %get3A_68] {strides = array<i32>} : memref<40x128xi32, #tpu.memory_space<vmem>>, vector<16xi32>,
      %shift_right_logical3A_70 = arith.constant 7 : i32
      %shift_right_logical3A_71 = vector.broadcast %shift_right_logical3A_70 : i32 to vector<16xi32>
      %shift_right_logical3A_72 = arith.shrui %get3A_69, %shift_right_logical3A_71 : vector<16xi32>
      %and3A_73 = arith.constant 127 : i32
      %and3A_74 = vector.broadcast %and3A_73 : i32 to vector<16xi32>
      %and3A_75 = arith.andi %get3A_69, %and3A_74 : vector<16xi32>
      tpu.vector_store_idx %arg7[%shift_right_logical3A_72, %and3A_75], %broadcast_in_dim3A_3 {add = true} : memref<80x128xf32, #tpu.memory_space<vmem>>[vector<16xi32>, vector<16xi32>], vector<16xf32>,
      %get3A_76 = arith.index_cast %scan3A_15 : i32 to index
      %get3A_77 = arith.constant 112 : index
      %get3A_78 = tpu.vector_load %arg6[%get3A_76, %get3A_77] {strides = array<i32>} : memref<40x128xi32, #tpu.memory_space<vmem>>, vector<16xi32>,
      %shift_right_logical3A_79 = arith.constant 7 : i32
      %shift_right_logical3A_80 = vector.broadcast %shift_right_logical3A_79 : i32 to vector<16xi32>
      %shift_right_logical3A_81 = arith.shrui %get3A_78, %shift_right_logical3A_80 : vector<16xi32>
      %and3A_82 = arith.constant 127 : i32
      %and3A_83 = vector.broadcast %and3A_82 : i32 to vector<16xi32>
      %and3A_84 = arith.andi %get3A_78, %and3A_83 : vector<16xi32>
      tpu.vector_store_idx %arg7[%shift_right_logical3A_81, %and3A_84], %broadcast_in_dim3A_3 {add = true} : memref<80x128xf32, #tpu.memory_space<vmem>>[vector<16xi32>, vector<16xi32>], vector<16xf32>,
    }
    %scan3A_8 = arith.constant 40 : i32
    "tpu.region"() ({
      %run_scoped3A = tpu.sem_alloc : memref<!tpu.dma_semaphore, #tpu.memory_space<semaphore_mem>>
      %dma_start3A = arith.constant 0 : i32
      %dma_start3A_15 = arith.constant 0 : i32
      %dma_start3A_16 = tpu.memref_slice %arg9[%dma_start3A, %dma_start3A_15] : memref<80x128xf32, #tpu.memory_space<vmem_shared>> -> memref<80x128xf32, #tpu.memory_space<vmem_shared>>
      tpu.enqueue_indirect_dma source(%arg7 : memref<80x128xf32, #tpu.memory_space<vmem>>) target(%dma_start3A_16 : memref<80x128xf32, #tpu.memory_space<vmem_shared>>) offsets(%arg8 : memref<80xi32, #tpu.memory_space<vmem>>) semaphore(%run_scoped3A : memref<!tpu.dma_semaphore, #tpu.memory_space<semaphore_mem>>) {add = true}
      %dma_wait3A = arith.constant 0 : i32
      %dma_wait3A_17 = arith.constant 0 : i32
      %dma_wait3A_18 = tpu.memref_slice %arg9[%dma_wait3A, %dma_wait3A_17] : memref<80x128xf32, #tpu.memory_space<vmem_shared>> -> memref<80x128xf32, #tpu.memory_space<vmem_shared>>
      tpu.wait_indirect_dma semaphore(%run_scoped3A : memref<!tpu.dma_semaphore, #tpu.memory_space<semaphore_mem>>) src(%arg7 : memref<80x128xf32, #tpu.memory_space<vmem>>) dst(%dma_wait3A_18 : memref<80x128xf32, #tpu.memory_space<vmem_shared>>)
      tpu.yield
    }) : () -> ()
    %barrier3A_9 = arith.constant 0 : index
    tpu.barrier barrier_id(%barrier3A_9)
    %lt3A_10 = arith.constant 10 : i32
    %lt3A_11 = arith.cmpi slt, %arg1, %lt3A_10 : i32
    %convert_element_type3A_12 = arith.extui %lt3A_11 : i1 to i32
    %cond3A_13 = arith.constant 0 : i32
    %cond3A_14 = arith.cmpi ne, %convert_element_type3A_12, %cond3A_13 : i32
    scf.if %cond3A_14 {
      %mul3A_15 = arith.constant 8 : i32
      %mul3A_16 = arith.muli %arg1, %mul3A_15 : i32
      %mul3A_17 = arith.constant 80 : i32
      %mul3A_18 = arith.muli %arg0, %mul3A_17 : i32
      %mul3A_19 = arith.constant 8 : i32
      %mul3A_20 = arith.muli %arg1, %mul3A_19 : i32
      %add3A_21 = arith.addi %mul3A_18, %mul3A_20 : i32
      "tpu.region"() ({
        %run_scoped3A = tpu.sem_alloc : memref<!tpu.dma_semaphore, #tpu.memory_space<semaphore_mem>>
        %dma_start3A = arith.constant 0 : i32
        %dma_start3A_22 = tpu.memref_slice %arg5[%add3A_21, %dma_start3A] : memref<160x128xf32, #tpu.memory_space<hbm>> -> memref<8x128xf32, #tpu.memory_space<hbm>>
        %dma_start3A_23 = arith.constant 0 : i32
        %dma_start3A_24 = tpu.memref_slice %arg9[%mul3A_16, %dma_start3A_23] : memref<80x128xf32, #tpu.memory_space<vmem_shared>> -> memref<8x128xf32, #tpu.memory_space<vmem_shared>>
        tpu.enqueue_dma source(%dma_start3A_24 : memref<8x128xf32, #tpu.memory_space<vmem_shared>>) target(%dma_start3A_22 : memref<8x128xf32, #tpu.memory_space<hbm>>) target_semaphore(%run_scoped3A : memref<!tpu.dma_semaphore, #tpu.memory_space<semaphore_mem>>)
        %dma_wait3A = arith.constant 0 : i32
        %dma_wait3A_25 = tpu.memref_slice %arg5[%add3A_21, %dma_wait3A] : memref<160x128xf32, #tpu.memory_space<hbm>> -> memref<8x128xf32, #tpu.memory_space<hbm>>
        %dma_wait3A_26 = arith.constant 0 : i32
        %dma_wait3A_27 = tpu.memref_slice %arg9[%mul3A_16, %dma_wait3A_26] : memref<80x128xf32, #tpu.memory_space<vmem_shared>> -> memref<8x128xf32, #tpu.memory_space<vmem_shared>>
        tpu.wait_dma2 semaphore(%run_scoped3A : memref<!tpu.dma_semaphore, #tpu.memory_space<semaphore_mem>>) src(%dma_wait3A_27 : memref<8x128xf32, #tpu.memory_space<vmem_shared>>) dst(%dma_wait3A_25 : memref<8x128xf32, #tpu.memory_space<hbm>>)
        tpu.yield
      }) : () -> ()
    } else {
    }
    return
  }
}

#map = affine_map<(d0, d1) -> (0, 0, 0)>
#map1 = affine_map<(d0, d1) -> (0, 0)>
module attributes {stable_mosaic.version = 14 : i64} {
  func.func @_agg_body(%arg0: i32, %arg1: i32, %arg2: memref<2x10240x128xf32, #tpu.memory_space<hbm>>, %arg3: memref<32x40x128xi32, #tpu.memory_space<hbm>>, %arg4: memref<32x40x128xi32, #tpu.memory_space<hbm>>, %arg5: memref<20480x128xf32, #tpu.memory_space<hbm>>, %arg6: memref<40x128xi32, #tpu.memory_space<vmem>>, %arg7: memref<40x128xi32, #tpu.memory_space<vmem>>, %arg8: memref<128x128xf32, #tpu.memory_space<vmem>>, %arg9: memref<128x128xf32, #tpu.memory_space<vmem>>, %arg10: memref<10240x128xf32, #tpu.memory_space<vmem_shared>>, %arg11: memref<!tpu.dma_semaphore, #tpu.memory_space<semaphore_mem>>, %arg12: memref<!tpu.dma_semaphore, #tpu.memory_space<semaphore_mem>>, %arg13: memref<!tpu.dma_semaphore, #tpu.memory_space<semaphore_mem>>, %arg14: memref<!tpu.dma_semaphore, #tpu.memory_space<semaphore_mem>>) attributes {dimension_semantics = [#tpu.dimension_semantics<core_parallel>, #tpu.dimension_semantics<subcore_parallel>], iteration_bounds = array<i64: 2, 16>, scalar_prefetch = 0 : i64, scratch_operands = 9 : i64, tpu.core_type = #tpu.core_type<sc_vector_subcore>, window_params = [{transform_indices = #map}, {transform_indices = #map}, {transform_indices = #map}, {transform_indices = #map1}]} {
    %mul3A = arith.constant 16 : i32
    %mul3A_0 = arith.muli %arg0, %mul3A : i32
    %add3A = arith.addi %mul3A_0, %arg1 : i32
    %mul3A_1 = arith.constant 640 : i32
    %mul3A_2 = arith.muli %arg1, %mul3A_1 : i32
    %mul3A_3 = arith.constant 640 : i32
    %mul3A_4 = arith.muli %arg1, %mul3A_3 : i32
    "tpu.region"() ({
      %run_scoped3A = tpu.sem_alloc : memref<!tpu.dma_semaphore, #tpu.memory_space<semaphore_mem>>
      %dma_start3A = arith.constant 0 : i32
      %dma_start3A_59 = tpu.memref_slice %arg10[%mul3A_4, %dma_start3A] : memref<10240x128xf32, #tpu.memory_space<vmem_shared>> -> memref<640x128xf32, #tpu.memory_space<vmem_shared>>
      %dma_start3A_60 = arith.constant 0 : i32
      %dma_start3A_61 = arith.constant 0 : i32
      %dma_start3A_62 = tpu.memref_slice %arg2[%arg0, %dma_start3A_60, %dma_start3A_61] : memref<2x10240x128xf32, #tpu.memory_space<hbm>> -> memref<1x10240x128xf32, #tpu.memory_space<hbm>>
      %dma_start3A_63 = tpu.memref_squeeze %dma_start3A_62 : memref<1x10240x128xf32, #tpu.memory_space<hbm>> -> memref<10240x128xf32, #tpu.memory_space<hbm>>
      %dma_start3A_64 = arith.constant 0 : i32
      %dma_start3A_65 = tpu.memref_slice %dma_start3A_63[%mul3A_2, %dma_start3A_64] : memref<10240x128xf32, #tpu.memory_space<hbm>> -> memref<640x128xf32, #tpu.memory_space<hbm>>
      tpu.enqueue_dma source(%dma_start3A_65 : memref<640x128xf32, #tpu.memory_space<hbm>>) target(%dma_start3A_59 : memref<640x128xf32, #tpu.memory_space<vmem_shared>>) target_semaphore(%run_scoped3A : memref<!tpu.dma_semaphore, #tpu.memory_space<semaphore_mem>>)
      %dma_wait3A_66 = arith.constant 0 : i32
      %dma_wait3A_67 = tpu.memref_slice %arg10[%mul3A_4, %dma_wait3A_66] : memref<10240x128xf32, #tpu.memory_space<vmem_shared>> -> memref<640x128xf32, #tpu.memory_space<vmem_shared>>
      %dma_wait3A_68 = arith.constant 0 : i32
      %dma_wait3A_69 = arith.constant 0 : i32
      %dma_wait3A_70 = tpu.memref_slice %arg2[%arg0, %dma_wait3A_68, %dma_wait3A_69] : memref<2x10240x128xf32, #tpu.memory_space<hbm>> -> memref<1x10240x128xf32, #tpu.memory_space<hbm>>
      %dma_wait3A_71 = tpu.memref_squeeze %dma_wait3A_70 : memref<1x10240x128xf32, #tpu.memory_space<hbm>> -> memref<10240x128xf32, #tpu.memory_space<hbm>>
      %dma_wait3A_72 = arith.constant 0 : i32
      %dma_wait3A_73 = tpu.memref_slice %dma_wait3A_71[%mul3A_2, %dma_wait3A_72] : memref<10240x128xf32, #tpu.memory_space<hbm>> -> memref<640x128xf32, #tpu.memory_space<hbm>>
      tpu.wait_dma2 semaphore(%run_scoped3A : memref<!tpu.dma_semaphore, #tpu.memory_space<semaphore_mem>>) src(%dma_wait3A_73 : memref<640x128xf32, #tpu.memory_space<hbm>>) dst(%dma_wait3A_67 : memref<640x128xf32, #tpu.memory_space<vmem_shared>>)
      tpu.yield
    }) : () -> ()
    %barrier3A = arith.constant 0 : index
    tpu.barrier barrier_id(%barrier3A)
    %mul3A_5 = arith.constant 2 : i32
    %mul3A_6 = arith.muli %arg1, %mul3A_5 : i32
    %add3A_7 = arith.constant 0 : i32
    %add3A_8 = arith.addi %mul3A_6, %add3A_7 : i32
    "tpu.region"() ({
      %run_scoped3A = tpu.sem_alloc : memref<!tpu.dma_semaphore, #tpu.memory_space<semaphore_mem>>
      %dma_start3A = arith.constant 0 : i32
      %dma_start3A_59 = arith.constant 0 : i32
      %dma_start3A_60 = tpu.memref_slice %arg3[%add3A_8, %dma_start3A, %dma_start3A_59] : memref<32x40x128xi32, #tpu.memory_space<hbm>> -> memref<1x40x128xi32, #tpu.memory_space<hbm>>
      %dma_start3A_61 = tpu.memref_squeeze %dma_start3A_60 : memref<1x40x128xi32, #tpu.memory_space<hbm>> -> memref<40x128xi32, #tpu.memory_space<hbm>>
      %dma_start3A_62 = arith.constant 0 : i32
      %dma_start3A_63 = arith.constant 0 : i32
      %dma_start3A_64 = tpu.memref_slice %arg3[%add3A_8, %dma_start3A_62, %dma_start3A_63] : memref<32x40x128xi32, #tpu.memory_space<hbm>> -> memref<1x40x128xi32, #tpu.memory_space<hbm>>
      %dma_start3A_65 = tpu.memref_squeeze %dma_start3A_64 : memref<1x40x128xi32, #tpu.memory_space<hbm>> -> memref<40x128xi32, #tpu.memory_space<hbm>>
      tpu.enqueue_dma source(%dma_start3A_65 : memref<40x128xi32, #tpu.memory_space<hbm>>) target(%arg6 : memref<40x128xi32, #tpu.memory_space<vmem>>) target_semaphore(%run_scoped3A : memref<!tpu.dma_semaphore, #tpu.memory_space<semaphore_mem>>)
      %dma_wait3A_66 = arith.constant 0 : i32
      %dma_wait3A_67 = arith.constant 0 : i32
      %dma_wait3A_68 = tpu.memref_slice %arg3[%add3A_8, %dma_wait3A_66, %dma_wait3A_67] : memref<32x40x128xi32, #tpu.memory_space<hbm>> -> memref<1x40x128xi32, #tpu.memory_space<hbm>>
      %dma_wait3A_69 = tpu.memref_squeeze %dma_wait3A_68 : memref<1x40x128xi32, #tpu.memory_space<hbm>> -> memref<40x128xi32, #tpu.memory_space<hbm>>
      %dma_wait3A_70 = arith.constant 0 : i32
      %dma_wait3A_71 = arith.constant 0 : i32
      %dma_wait3A_72 = tpu.memref_slice %arg3[%add3A_8, %dma_wait3A_70, %dma_wait3A_71] : memref<32x40x128xi32, #tpu.memory_space<hbm>> -> memref<1x40x128xi32, #tpu.memory_space<hbm>>
      %dma_wait3A_73 = tpu.memref_squeeze %dma_wait3A_72 : memref<1x40x128xi32, #tpu.memory_space<hbm>> -> memref<40x128xi32, #tpu.memory_space<hbm>>
      tpu.wait_dma2 semaphore(%run_scoped3A : memref<!tpu.dma_semaphore, #tpu.memory_space<semaphore_mem>>) src(%dma_wait3A_73 : memref<40x128xi32, #tpu.memory_space<hbm>>) dst(%arg6 : memref<40x128xi32, #tpu.memory_space<vmem>>)
      tpu.yield
    }) : () -> ()
    "tpu.region"() ({
      %run_scoped3A = tpu.sem_alloc : memref<!tpu.dma_semaphore, #tpu.memory_space<semaphore_mem>>
      %dma_start3A = arith.constant 0 : i32
      %dma_start3A_59 = arith.constant 0 : i32
      %dma_start3A_60 = tpu.memref_slice %arg4[%add3A_8, %dma_start3A, %dma_start3A_59] : memref<32x40x128xi32, #tpu.memory_space<hbm>> -> memref<1x40x128xi32, #tpu.memory_space<hbm>>
      %dma_start3A_61 = tpu.memref_squeeze %dma_start3A_60 : memref<1x40x128xi32, #tpu.memory_space<hbm>> -> memref<40x128xi32, #tpu.memory_space<hbm>>
      %dma_start3A_62 = arith.constant 0 : i32
      %dma_start3A_63 = arith.constant 0 : i32
      %dma_start3A_64 = tpu.memref_slice %arg4[%add3A_8, %dma_start3A_62, %dma_start3A_63] : memref<32x40x128xi32, #tpu.memory_space<hbm>> -> memref<1x40x128xi32, #tpu.memory_space<hbm>>
      %dma_start3A_65 = tpu.memref_squeeze %dma_start3A_64 : memref<1x40x128xi32, #tpu.memory_space<hbm>> -> memref<40x128xi32, #tpu.memory_space<hbm>>
      tpu.enqueue_dma source(%dma_start3A_65 : memref<40x128xi32, #tpu.memory_space<hbm>>) target(%arg7 : memref<40x128xi32, #tpu.memory_space<vmem>>) target_semaphore(%run_scoped3A : memref<!tpu.dma_semaphore, #tpu.memory_space<semaphore_mem>>)
      %dma_wait3A_66 = arith.constant 0 : i32
      %dma_wait3A_67 = arith.constant 0 : i32
      %dma_wait3A_68 = tpu.memref_slice %arg4[%add3A_8, %dma_wait3A_66, %dma_wait3A_67] : memref<32x40x128xi32, #tpu.memory_space<hbm>> -> memref<1x40x128xi32, #tpu.memory_space<hbm>>
      %dma_wait3A_69 = tpu.memref_squeeze %dma_wait3A_68 : memref<1x40x128xi32, #tpu.memory_space<hbm>> -> memref<40x128xi32, #tpu.memory_space<hbm>>
      %dma_wait3A_70 = arith.constant 0 : i32
      %dma_wait3A_71 = arith.constant 0 : i32
      %dma_wait3A_72 = tpu.memref_slice %arg4[%add3A_8, %dma_wait3A_70, %dma_wait3A_71] : memref<32x40x128xi32, #tpu.memory_space<hbm>> -> memref<1x40x128xi32, #tpu.memory_space<hbm>>
      %dma_wait3A_73 = tpu.memref_squeeze %dma_wait3A_72 : memref<1x40x128xi32, #tpu.memory_space<hbm>> -> memref<40x128xi32, #tpu.memory_space<hbm>>
      tpu.wait_dma2 semaphore(%run_scoped3A : memref<!tpu.dma_semaphore, #tpu.memory_space<semaphore_mem>>) src(%dma_wait3A_73 : memref<40x128xi32, #tpu.memory_space<hbm>>) dst(%arg7 : memref<40x128xi32, #tpu.memory_space<vmem>>)
      tpu.yield
    }) : () -> ()
    %scan3A = arith.constant 0 : i32
    %scan3A_9 = arith.constant 0 : i32
    %scan3A_10 = arith.constant 20 : i32
    %scan3A_11 = arith.addi %scan3A_9, %scan3A_10 : i32
    %scan3A_12 = arith.constant 1 : i32
    scf.for %scan3A_59 = %scan3A_9 to %scan3A_11 step %scan3A_12  : i32 {
      %mul3A_60 = arith.constant 2 : i32
      %mul3A_61 = arith.muli %mul3A_60, %scan3A_59 : i32
      %gt3A = arith.constant 0 : i32
      %gt3A_62 = arith.cmpi sgt, %scan3A_59, %gt3A : i32
      %convert_element_type3A = arith.extui %gt3A_62 : i1 to i32
      %cond3A = arith.constant 0 : i32
      %cond3A_63 = arith.cmpi ne, %convert_element_type3A, %cond3A : i32
      scf.if %cond3A_63 {
        %sub3A = arith.constant 2 : i32
        %sub3A_119 = arith.subi %mul3A_61, %sub3A : i32
        %sub3A_120 = arith.constant 1 : i32
        %sub3A_121 = arith.subi %mul3A_61, %sub3A_120 : i32
        %dma_wait3A_122 = arith.constant 0 : i32
        %dma_wait3A_123 = tpu.memref_slice %arg7[%sub3A_119, %dma_wait3A_122] : memref<40x128xi32, #tpu.memory_space<vmem>> -> memref<1x128xi32, #tpu.memory_space<vmem>>
        %dma_wait3A_124 = tpu.memref_squeeze %dma_wait3A_123 : memref<1x128xi32, #tpu.memory_space<vmem>> -> memref<128xi32, #tpu.memory_space<vmem>>
        %dma_wait3A_125 = arith.constant 0 : i32
        %dma_wait3A_126 = arith.constant 0 : i32
        %dma_wait3A_127 = tpu.memref_slice %arg10[%dma_wait3A_125, %dma_wait3A_126] : memref<10240x128xf32, #tpu.memory_space<vmem_shared>> -> memref<10240x128xf32, #tpu.memory_space<vmem_shared>>
        tpu.wait_indirect_dma semaphore(%arg13 : memref<!tpu.dma_semaphore, #tpu.memory_space<semaphore_mem>>) src(%arg8 : memref<128x128xf32, #tpu.memory_space<vmem>>) dst(%dma_wait3A_127 : memref<10240x128xf32, #tpu.memory_space<vmem_shared>>)
        %dma_wait3A_128 = arith.constant 0 : i32
        %dma_wait3A_129 = tpu.memref_slice %arg7[%sub3A_121, %dma_wait3A_128] : memref<40x128xi32, #tpu.memory_space<vmem>> -> memref<1x128xi32, #tpu.memory_space<vmem>>
        %dma_wait3A_130 = tpu.memref_squeeze %dma_wait3A_129 : memref<1x128xi32, #tpu.memory_space<vmem>> -> memref<128xi32, #tpu.memory_space<vmem>>
        %dma_wait3A_131 = arith.constant 0 : i32
        %dma_wait3A_132 = arith.constant 0 : i32
        %dma_wait3A_133 = tpu.memref_slice %arg10[%dma_wait3A_131, %dma_wait3A_132] : memref<10240x128xf32, #tpu.memory_space<vmem_shared>> -> memref<10240x128xf32, #tpu.memory_space<vmem_shared>>
        tpu.wait_indirect_dma semaphore(%arg14 : memref<!tpu.dma_semaphore, #tpu.memory_space<semaphore_mem>>) src(%arg9 : memref<128x128xf32, #tpu.memory_space<vmem>>) dst(%dma_wait3A_133 : memref<10240x128xf32, #tpu.memory_space<vmem_shared>>)
      } else {
      }
      %dma_start3A = arith.constant 0 : i32
      %dma_start3A_64 = tpu.memref_slice %arg6[%mul3A_61, %dma_start3A] : memref<40x128xi32, #tpu.memory_space<vmem>> -> memref<1x128xi32, #tpu.memory_space<vmem>>
      %dma_start3A_65 = tpu.memref_squeeze %dma_start3A_64 : memref<1x128xi32, #tpu.memory_space<vmem>> -> memref<128xi32, #tpu.memory_space<vmem>>
      %dma_start3A_66 = arith.constant 0 : i32
      %dma_start3A_67 = arith.constant 0 : i32
      %dma_start3A_68 = tpu.memref_slice %arg2[%arg0, %dma_start3A_66, %dma_start3A_67] : memref<2x10240x128xf32, #tpu.memory_space<hbm>> -> memref<1x10240x128xf32, #tpu.memory_space<hbm>>
      %dma_start3A_69 = tpu.memref_squeeze %dma_start3A_68 : memref<1x10240x128xf32, #tpu.memory_space<hbm>> -> memref<10240x128xf32, #tpu.memory_space<hbm>>
      %dma_start3A_70 = arith.constant 0 : i32
      %dma_start3A_71 = arith.constant 0 : i32
      %dma_start3A_72 = tpu.memref_slice %dma_start3A_69[%dma_start3A_70, %dma_start3A_71] : memref<10240x128xf32, #tpu.memory_space<hbm>> -> memref<10240x128xf32, #tpu.memory_space<hbm>>
      tpu.enqueue_indirect_dma source(%dma_start3A_72 : memref<10240x128xf32, #tpu.memory_space<hbm>>) target(%arg8 : memref<128x128xf32, #tpu.memory_space<vmem>>) offsets(%dma_start3A_65 : memref<128xi32, #tpu.memory_space<vmem>>) semaphore(%arg11 : memref<!tpu.dma_semaphore, #tpu.memory_space<semaphore_mem>>)
      %add3A_73 = arith.constant 1 : i32
      %add3A_74 = arith.addi %mul3A_61, %add3A_73 : i32
      %dma_start3A_75 = arith.constant 0 : i32
      %dma_start3A_76 = tpu.memref_slice %arg6[%add3A_74, %dma_start3A_75] : memref<40x128xi32, #tpu.memory_space<vmem>> -> memref<1x128xi32, #tpu.memory_space<vmem>>
      %dma_start3A_77 = tpu.memref_squeeze %dma_start3A_76 : memref<1x128xi32, #tpu.memory_space<vmem>> -> memref<128xi32, #tpu.memory_space<vmem>>
      %dma_start3A_78 = arith.constant 0 : i32
      %dma_start3A_79 = arith.constant 0 : i32
      %dma_start3A_80 = tpu.memref_slice %arg2[%arg0, %dma_start3A_78, %dma_start3A_79] : memref<2x10240x128xf32, #tpu.memory_space<hbm>> -> memref<1x10240x128xf32, #tpu.memory_space<hbm>>
      %dma_start3A_81 = tpu.memref_squeeze %dma_start3A_80 : memref<1x10240x128xf32, #tpu.memory_space<hbm>> -> memref<10240x128xf32, #tpu.memory_space<hbm>>
      %dma_start3A_82 = arith.constant 0 : i32
      %dma_start3A_83 = arith.constant 0 : i32
      %dma_start3A_84 = tpu.memref_slice %dma_start3A_81[%dma_start3A_82, %dma_start3A_83] : memref<10240x128xf32, #tpu.memory_space<hbm>> -> memref<10240x128xf32, #tpu.memory_space<hbm>>
      tpu.enqueue_indirect_dma source(%dma_start3A_84 : memref<10240x128xf32, #tpu.memory_space<hbm>>) target(%arg9 : memref<128x128xf32, #tpu.memory_space<vmem>>) offsets(%dma_start3A_77 : memref<128xi32, #tpu.memory_space<vmem>>) semaphore(%arg12 : memref<!tpu.dma_semaphore, #tpu.memory_space<semaphore_mem>>)
      %dma_wait3A_85 = arith.constant 0 : i32
      %dma_wait3A_86 = tpu.memref_slice %arg6[%mul3A_61, %dma_wait3A_85] : memref<40x128xi32, #tpu.memory_space<vmem>> -> memref<1x128xi32, #tpu.memory_space<vmem>>
      %dma_wait3A_87 = tpu.memref_squeeze %dma_wait3A_86 : memref<1x128xi32, #tpu.memory_space<vmem>> -> memref<128xi32, #tpu.memory_space<vmem>>
      %dma_wait3A_88 = arith.constant 0 : i32
      %dma_wait3A_89 = arith.constant 0 : i32
      %dma_wait3A_90 = tpu.memref_slice %arg2[%arg0, %dma_wait3A_88, %dma_wait3A_89] : memref<2x10240x128xf32, #tpu.memory_space<hbm>> -> memref<1x10240x128xf32, #tpu.memory_space<hbm>>
      %dma_wait3A_91 = tpu.memref_squeeze %dma_wait3A_90 : memref<1x10240x128xf32, #tpu.memory_space<hbm>> -> memref<10240x128xf32, #tpu.memory_space<hbm>>
      %dma_wait3A_92 = arith.constant 0 : i32
      %dma_wait3A_93 = arith.constant 0 : i32
      %dma_wait3A_94 = tpu.memref_slice %dma_wait3A_91[%dma_wait3A_92, %dma_wait3A_93] : memref<10240x128xf32, #tpu.memory_space<hbm>> -> memref<10240x128xf32, #tpu.memory_space<hbm>>
      tpu.wait_indirect_dma semaphore(%arg11 : memref<!tpu.dma_semaphore, #tpu.memory_space<semaphore_mem>>) src(%dma_wait3A_94 : memref<10240x128xf32, #tpu.memory_space<hbm>>) dst(%arg8 : memref<128x128xf32, #tpu.memory_space<vmem>>)
      %dma_start3A_95 = arith.constant 0 : i32
      %dma_start3A_96 = tpu.memref_slice %arg7[%mul3A_61, %dma_start3A_95] : memref<40x128xi32, #tpu.memory_space<vmem>> -> memref<1x128xi32, #tpu.memory_space<vmem>>
      %dma_start3A_97 = tpu.memref_squeeze %dma_start3A_96 : memref<1x128xi32, #tpu.memory_space<vmem>> -> memref<128xi32, #tpu.memory_space<vmem>>
      %dma_start3A_98 = arith.constant 0 : i32
      %dma_start3A_99 = arith.constant 0 : i32
      %dma_start3A_100 = tpu.memref_slice %arg10[%dma_start3A_98, %dma_start3A_99] : memref<10240x128xf32, #tpu.memory_space<vmem_shared>> -> memref<10240x128xf32, #tpu.memory_space<vmem_shared>>
      tpu.enqueue_indirect_dma source(%arg8 : memref<128x128xf32, #tpu.memory_space<vmem>>) target(%dma_start3A_100 : memref<10240x128xf32, #tpu.memory_space<vmem_shared>>) offsets(%dma_start3A_97 : memref<128xi32, #tpu.memory_space<vmem>>) semaphore(%arg13 : memref<!tpu.dma_semaphore, #tpu.memory_space<semaphore_mem>>) {add = true}
      %dma_wait3A_101 = arith.constant 0 : i32
      %dma_wait3A_102 = tpu.memref_slice %arg6[%add3A_74, %dma_wait3A_101] : memref<40x128xi32, #tpu.memory_space<vmem>> -> memref<1x128xi32, #tpu.memory_space<vmem>>
      %dma_wait3A_103 = tpu.memref_squeeze %dma_wait3A_102 : memref<1x128xi32, #tpu.memory_space<vmem>> -> memref<128xi32, #tpu.memory_space<vmem>>
      %dma_wait3A_104 = arith.constant 0 : i32
      %dma_wait3A_105 = arith.constant 0 : i32
      %dma_wait3A_106 = tpu.memref_slice %arg2[%arg0, %dma_wait3A_104, %dma_wait3A_105] : memref<2x10240x128xf32, #tpu.memory_space<hbm>> -> memref<1x10240x128xf32, #tpu.memory_space<hbm>>
      %dma_wait3A_107 = tpu.memref_squeeze %dma_wait3A_106 : memref<1x10240x128xf32, #tpu.memory_space<hbm>> -> memref<10240x128xf32, #tpu.memory_space<hbm>>
      %dma_wait3A_108 = arith.constant 0 : i32
      %dma_wait3A_109 = arith.constant 0 : i32
      %dma_wait3A_110 = tpu.memref_slice %dma_wait3A_107[%dma_wait3A_108, %dma_wait3A_109] : memref<10240x128xf32, #tpu.memory_space<hbm>> -> memref<10240x128xf32, #tpu.memory_space<hbm>>
      tpu.wait_indirect_dma semaphore(%arg12 : memref<!tpu.dma_semaphore, #tpu.memory_space<semaphore_mem>>) src(%dma_wait3A_110 : memref<10240x128xf32, #tpu.memory_space<hbm>>) dst(%arg9 : memref<128x128xf32, #tpu.memory_space<vmem>>)
      %add3A_111 = arith.constant 1 : i32
      %add3A_112 = arith.addi %mul3A_61, %add3A_111 : i32
      %dma_start3A_113 = arith.constant 0 : i32
      %dma_start3A_114 = tpu.memref_slice %arg7[%add3A_112, %dma_start3A_113] : memref<40x128xi32, #tpu.memory_space<vmem>> -> memref<1x128xi32, #tpu.memory_space<vmem>>
      %dma_start3A_115 = tpu.memref_squeeze %dma_start3A_114 : memref<1x128xi32, #tpu.memory_space<vmem>> -> memref<128xi32, #tpu.memory_space<vmem>>
      %dma_start3A_116 = arith.constant 0 : i32
      %dma_start3A_117 = arith.constant 0 : i32
      %dma_start3A_118 = tpu.memref_slice %arg10[%dma_start3A_116, %dma_start3A_117] : memref<10240x128xf32, #tpu.memory_space<vmem_shared>> -> memref<10240x128xf32, #tpu.memory_space<vmem_shared>>
      tpu.enqueue_indirect_dma source(%arg9 : memref<128x128xf32, #tpu.memory_space<vmem>>) target(%dma_start3A_118 : memref<10240x128xf32, #tpu.memory_space<vmem_shared>>) offsets(%dma_start3A_115 : memref<128xi32, #tpu.memory_space<vmem>>) semaphore(%arg14 : memref<!tpu.dma_semaphore, #tpu.memory_space<semaphore_mem>>) {add = true}
    }
    %scan3A_13 = arith.constant 20 : i32
    %dma_wait3A = arith.constant 38 : i32
    %dma_wait3A_14 = arith.constant 0 : i32
    %dma_wait3A_15 = tpu.memref_slice %arg7[%dma_wait3A, %dma_wait3A_14] : memref<40x128xi32, #tpu.memory_space<vmem>> -> memref<1x128xi32, #tpu.memory_space<vmem>>
    %dma_wait3A_16 = tpu.memref_squeeze %dma_wait3A_15 : memref<1x128xi32, #tpu.memory_space<vmem>> -> memref<128xi32, #tpu.memory_space<vmem>>
    %dma_wait3A_17 = arith.constant 0 : i32
    %dma_wait3A_18 = arith.constant 0 : i32
    %dma_wait3A_19 = tpu.memref_slice %arg10[%dma_wait3A_17, %dma_wait3A_18] : memref<10240x128xf32, #tpu.memory_space<vmem_shared>> -> memref<10240x128xf32, #tpu.memory_space<vmem_shared>>
    tpu.wait_indirect_dma semaphore(%arg13 : memref<!tpu.dma_semaphore, #tpu.memory_space<semaphore_mem>>) src(%arg8 : memref<128x128xf32, #tpu.memory_space<vmem>>) dst(%dma_wait3A_19 : memref<10240x128xf32, #tpu.memory_space<vmem_shared>>)
    %dma_wait3A_20 = arith.constant 39 : i32
    %dma_wait3A_21 = arith.constant 0 : i32
    %dma_wait3A_22 = tpu.memref_slice %arg7[%dma_wait3A_20, %dma_wait3A_21] : memref<40x128xi32, #tpu.memory_space<vmem>> -> memref<1x128xi32, #tpu.memory_space<vmem>>
    %dma_wait3A_23 = tpu.memref_squeeze %dma_wait3A_22 : memref<1x128xi32, #tpu.memory_space<vmem>> -> memref<128xi32, #tpu.memory_space<vmem>>
    %dma_wait3A_24 = arith.constant 0 : i32
    %dma_wait3A_25 = arith.constant 0 : i32
    %dma_wait3A_26 = tpu.memref_slice %arg10[%dma_wait3A_24, %dma_wait3A_25] : memref<10240x128xf32, #tpu.memory_space<vmem_shared>> -> memref<10240x128xf32, #tpu.memory_space<vmem_shared>>
    tpu.wait_indirect_dma semaphore(%arg14 : memref<!tpu.dma_semaphore, #tpu.memory_space<semaphore_mem>>) src(%arg9 : memref<128x128xf32, #tpu.memory_space<vmem>>) dst(%dma_wait3A_26 : memref<10240x128xf32, #tpu.memory_space<vmem_shared>>)
    %mul3A_27 = arith.constant 2 : i32
    %mul3A_28 = arith.muli %arg1, %mul3A_27 : i32
    %add3A_29 = arith.constant 1 : i32
    %add3A_30 = arith.addi %mul3A_28, %add3A_29 : i32
    "tpu.region"() ({
      %run_scoped3A = tpu.sem_alloc : memref<!tpu.dma_semaphore, #tpu.memory_space<semaphore_mem>>
      %dma_start3A = arith.constant 0 : i32
      %dma_start3A_59 = arith.constant 0 : i32
      %dma_start3A_60 = tpu.memref_slice %arg3[%add3A_30, %dma_start3A, %dma_start3A_59] : memref<32x40x128xi32, #tpu.memory_space<hbm>> -> memref<1x40x128xi32, #tpu.memory_space<hbm>>
      %dma_start3A_61 = tpu.memref_squeeze %dma_start3A_60 : memref<1x40x128xi32, #tpu.memory_space<hbm>> -> memref<40x128xi32, #tpu.memory_space<hbm>>
      %dma_start3A_62 = arith.constant 0 : i32
      %dma_start3A_63 = arith.constant 0 : i32
      %dma_start3A_64 = tpu.memref_slice %arg3[%add3A_30, %dma_start3A_62, %dma_start3A_63] : memref<32x40x128xi32, #tpu.memory_space<hbm>> -> memref<1x40x128xi32, #tpu.memory_space<hbm>>
      %dma_start3A_65 = tpu.memref_squeeze %dma_start3A_64 : memref<1x40x128xi32, #tpu.memory_space<hbm>> -> memref<40x128xi32, #tpu.memory_space<hbm>>
      tpu.enqueue_dma source(%dma_start3A_65 : memref<40x128xi32, #tpu.memory_space<hbm>>) target(%arg6 : memref<40x128xi32, #tpu.memory_space<vmem>>) target_semaphore(%run_scoped3A : memref<!tpu.dma_semaphore, #tpu.memory_space<semaphore_mem>>)
      %dma_wait3A_66 = arith.constant 0 : i32
      %dma_wait3A_67 = arith.constant 0 : i32
      %dma_wait3A_68 = tpu.memref_slice %arg3[%add3A_30, %dma_wait3A_66, %dma_wait3A_67] : memref<32x40x128xi32, #tpu.memory_space<hbm>> -> memref<1x40x128xi32, #tpu.memory_space<hbm>>
      %dma_wait3A_69 = tpu.memref_squeeze %dma_wait3A_68 : memref<1x40x128xi32, #tpu.memory_space<hbm>> -> memref<40x128xi32, #tpu.memory_space<hbm>>
      %dma_wait3A_70 = arith.constant 0 : i32
      %dma_wait3A_71 = arith.constant 0 : i32
      %dma_wait3A_72 = tpu.memref_slice %arg3[%add3A_30, %dma_wait3A_70, %dma_wait3A_71] : memref<32x40x128xi32, #tpu.memory_space<hbm>> -> memref<1x40x128xi32, #tpu.memory_space<hbm>>
      %dma_wait3A_73 = tpu.memref_squeeze %dma_wait3A_72 : memref<1x40x128xi32, #tpu.memory_space<hbm>> -> memref<40x128xi32, #tpu.memory_space<hbm>>
      tpu.wait_dma2 semaphore(%run_scoped3A : memref<!tpu.dma_semaphore, #tpu.memory_space<semaphore_mem>>) src(%dma_wait3A_73 : memref<40x128xi32, #tpu.memory_space<hbm>>) dst(%arg6 : memref<40x128xi32, #tpu.memory_space<vmem>>)
      tpu.yield
    }) : () -> ()
    "tpu.region"() ({
      %run_scoped3A = tpu.sem_alloc : memref<!tpu.dma_semaphore, #tpu.memory_space<semaphore_mem>>
      %dma_start3A = arith.constant 0 : i32
      %dma_start3A_59 = arith.constant 0 : i32
      %dma_start3A_60 = tpu.memref_slice %arg4[%add3A_30, %dma_start3A, %dma_start3A_59] : memref<32x40x128xi32, #tpu.memory_space<hbm>> -> memref<1x40x128xi32, #tpu.memory_space<hbm>>
      %dma_start3A_61 = tpu.memref_squeeze %dma_start3A_60 : memref<1x40x128xi32, #tpu.memory_space<hbm>> -> memref<40x128xi32, #tpu.memory_space<hbm>>
      %dma_start3A_62 = arith.constant 0 : i32
      %dma_start3A_63 = arith.constant 0 : i32
      %dma_start3A_64 = tpu.memref_slice %arg4[%add3A_30, %dma_start3A_62, %dma_start3A_63] : memref<32x40x128xi32, #tpu.memory_space<hbm>> -> memref<1x40x128xi32, #tpu.memory_space<hbm>>
      %dma_start3A_65 = tpu.memref_squeeze %dma_start3A_64 : memref<1x40x128xi32, #tpu.memory_space<hbm>> -> memref<40x128xi32, #tpu.memory_space<hbm>>
      tpu.enqueue_dma source(%dma_start3A_65 : memref<40x128xi32, #tpu.memory_space<hbm>>) target(%arg7 : memref<40x128xi32, #tpu.memory_space<vmem>>) target_semaphore(%run_scoped3A : memref<!tpu.dma_semaphore, #tpu.memory_space<semaphore_mem>>)
      %dma_wait3A_66 = arith.constant 0 : i32
      %dma_wait3A_67 = arith.constant 0 : i32
      %dma_wait3A_68 = tpu.memref_slice %arg4[%add3A_30, %dma_wait3A_66, %dma_wait3A_67] : memref<32x40x128xi32, #tpu.memory_space<hbm>> -> memref<1x40x128xi32, #tpu.memory_space<hbm>>
      %dma_wait3A_69 = tpu.memref_squeeze %dma_wait3A_68 : memref<1x40x128xi32, #tpu.memory_space<hbm>> -> memref<40x128xi32, #tpu.memory_space<hbm>>
      %dma_wait3A_70 = arith.constant 0 : i32
      %dma_wait3A_71 = arith.constant 0 : i32
      %dma_wait3A_72 = tpu.memref_slice %arg4[%add3A_30, %dma_wait3A_70, %dma_wait3A_71] : memref<32x40x128xi32, #tpu.memory_space<hbm>> -> memref<1x40x128xi32, #tpu.memory_space<hbm>>
      %dma_wait3A_73 = tpu.memref_squeeze %dma_wait3A_72 : memref<1x40x128xi32, #tpu.memory_space<hbm>> -> memref<40x128xi32, #tpu.memory_space<hbm>>
      tpu.wait_dma2 semaphore(%run_scoped3A : memref<!tpu.dma_semaphore, #tpu.memory_space<semaphore_mem>>) src(%dma_wait3A_73 : memref<40x128xi32, #tpu.memory_space<hbm>>) dst(%arg7 : memref<40x128xi32, #tpu.memory_space<vmem>>)
      tpu.yield
    }) : () -> ()
    %scan3A_31 = arith.constant 0 : i32
    %scan3A_32 = arith.constant 0 : i32
    %scan3A_33 = arith.constant 20 : i32
    %scan3A_34 = arith.addi %scan3A_32, %scan3A_33 : i32
    %scan3A_35 = arith.constant 1 : i32
    scf.for %scan3A_59 = %scan3A_32 to %scan3A_34 step %scan3A_35  : i32 {
      %mul3A_60 = arith.constant 2 : i32
      %mul3A_61 = arith.muli %mul3A_60, %scan3A_59 : i32
      %gt3A = arith.constant 0 : i32
      %gt3A_62 = arith.cmpi sgt, %scan3A_59, %gt3A : i32
      %convert_element_type3A = arith.extui %gt3A_62 : i1 to i32
      %cond3A = arith.constant 0 : i32
      %cond3A_63 = arith.cmpi ne, %convert_element_type3A, %cond3A : i32
      scf.if %cond3A_63 {
        %sub3A = arith.constant 2 : i32
        %sub3A_119 = arith.subi %mul3A_61, %sub3A : i32
        %sub3A_120 = arith.constant 1 : i32
        %sub3A_121 = arith.subi %mul3A_61, %sub3A_120 : i32
        %dma_wait3A_122 = arith.constant 0 : i32
        %dma_wait3A_123 = tpu.memref_slice %arg7[%sub3A_119, %dma_wait3A_122] : memref<40x128xi32, #tpu.memory_space<vmem>> -> memref<1x128xi32, #tpu.memory_space<vmem>>
        %dma_wait3A_124 = tpu.memref_squeeze %dma_wait3A_123 : memref<1x128xi32, #tpu.memory_space<vmem>> -> memref<128xi32, #tpu.memory_space<vmem>>
        %dma_wait3A_125 = arith.constant 0 : i32
        %dma_wait3A_126 = arith.constant 0 : i32
        %dma_wait3A_127 = tpu.memref_slice %arg10[%dma_wait3A_125, %dma_wait3A_126] : memref<10240x128xf32, #tpu.memory_space<vmem_shared>> -> memref<10240x128xf32, #tpu.memory_space<vmem_shared>>
        tpu.wait_indirect_dma semaphore(%arg13 : memref<!tpu.dma_semaphore, #tpu.memory_space<semaphore_mem>>) src(%arg8 : memref<128x128xf32, #tpu.memory_space<vmem>>) dst(%dma_wait3A_127 : memref<10240x128xf32, #tpu.memory_space<vmem_shared>>)
        %dma_wait3A_128 = arith.constant 0 : i32
        %dma_wait3A_129 = tpu.memref_slice %arg7[%sub3A_121, %dma_wait3A_128] : memref<40x128xi32, #tpu.memory_space<vmem>> -> memref<1x128xi32, #tpu.memory_space<vmem>>
        %dma_wait3A_130 = tpu.memref_squeeze %dma_wait3A_129 : memref<1x128xi32, #tpu.memory_space<vmem>> -> memref<128xi32, #tpu.memory_space<vmem>>
        %dma_wait3A_131 = arith.constant 0 : i32
        %dma_wait3A_132 = arith.constant 0 : i32
        %dma_wait3A_133 = tpu.memref_slice %arg10[%dma_wait3A_131, %dma_wait3A_132] : memref<10240x128xf32, #tpu.memory_space<vmem_shared>> -> memref<10240x128xf32, #tpu.memory_space<vmem_shared>>
        tpu.wait_indirect_dma semaphore(%arg14 : memref<!tpu.dma_semaphore, #tpu.memory_space<semaphore_mem>>) src(%arg9 : memref<128x128xf32, #tpu.memory_space<vmem>>) dst(%dma_wait3A_133 : memref<10240x128xf32, #tpu.memory_space<vmem_shared>>)
      } else {
      }
      %dma_start3A = arith.constant 0 : i32
      %dma_start3A_64 = tpu.memref_slice %arg6[%mul3A_61, %dma_start3A] : memref<40x128xi32, #tpu.memory_space<vmem>> -> memref<1x128xi32, #tpu.memory_space<vmem>>
      %dma_start3A_65 = tpu.memref_squeeze %dma_start3A_64 : memref<1x128xi32, #tpu.memory_space<vmem>> -> memref<128xi32, #tpu.memory_space<vmem>>
      %dma_start3A_66 = arith.constant 0 : i32
      %dma_start3A_67 = arith.constant 0 : i32
      %dma_start3A_68 = tpu.memref_slice %arg2[%arg0, %dma_start3A_66, %dma_start3A_67] : memref<2x10240x128xf32, #tpu.memory_space<hbm>> -> memref<1x10240x128xf32, #tpu.memory_space<hbm>>
      %dma_start3A_69 = tpu.memref_squeeze %dma_start3A_68 : memref<1x10240x128xf32, #tpu.memory_space<hbm>> -> memref<10240x128xf32, #tpu.memory_space<hbm>>
      %dma_start3A_70 = arith.constant 0 : i32
      %dma_start3A_71 = arith.constant 0 : i32
      %dma_start3A_72 = tpu.memref_slice %dma_start3A_69[%dma_start3A_70, %dma_start3A_71] : memref<10240x128xf32, #tpu.memory_space<hbm>> -> memref<10240x128xf32, #tpu.memory_space<hbm>>
      tpu.enqueue_indirect_dma source(%dma_start3A_72 : memref<10240x128xf32, #tpu.memory_space<hbm>>) target(%arg8 : memref<128x128xf32, #tpu.memory_space<vmem>>) offsets(%dma_start3A_65 : memref<128xi32, #tpu.memory_space<vmem>>) semaphore(%arg11 : memref<!tpu.dma_semaphore, #tpu.memory_space<semaphore_mem>>)
      %add3A_73 = arith.constant 1 : i32
      %add3A_74 = arith.addi %mul3A_61, %add3A_73 : i32
      %dma_start3A_75 = arith.constant 0 : i32
      %dma_start3A_76 = tpu.memref_slice %arg6[%add3A_74, %dma_start3A_75] : memref<40x128xi32, #tpu.memory_space<vmem>> -> memref<1x128xi32, #tpu.memory_space<vmem>>
      %dma_start3A_77 = tpu.memref_squeeze %dma_start3A_76 : memref<1x128xi32, #tpu.memory_space<vmem>> -> memref<128xi32, #tpu.memory_space<vmem>>
      %dma_start3A_78 = arith.constant 0 : i32
      %dma_start3A_79 = arith.constant 0 : i32
      %dma_start3A_80 = tpu.memref_slice %arg2[%arg0, %dma_start3A_78, %dma_start3A_79] : memref<2x10240x128xf32, #tpu.memory_space<hbm>> -> memref<1x10240x128xf32, #tpu.memory_space<hbm>>
      %dma_start3A_81 = tpu.memref_squeeze %dma_start3A_80 : memref<1x10240x128xf32, #tpu.memory_space<hbm>> -> memref<10240x128xf32, #tpu.memory_space<hbm>>
      %dma_start3A_82 = arith.constant 0 : i32
      %dma_start3A_83 = arith.constant 0 : i32
      %dma_start3A_84 = tpu.memref_slice %dma_start3A_81[%dma_start3A_82, %dma_start3A_83] : memref<10240x128xf32, #tpu.memory_space<hbm>> -> memref<10240x128xf32, #tpu.memory_space<hbm>>
      tpu.enqueue_indirect_dma source(%dma_start3A_84 : memref<10240x128xf32, #tpu.memory_space<hbm>>) target(%arg9 : memref<128x128xf32, #tpu.memory_space<vmem>>) offsets(%dma_start3A_77 : memref<128xi32, #tpu.memory_space<vmem>>) semaphore(%arg12 : memref<!tpu.dma_semaphore, #tpu.memory_space<semaphore_mem>>)
      %dma_wait3A_85 = arith.constant 0 : i32
      %dma_wait3A_86 = tpu.memref_slice %arg6[%mul3A_61, %dma_wait3A_85] : memref<40x128xi32, #tpu.memory_space<vmem>> -> memref<1x128xi32, #tpu.memory_space<vmem>>
      %dma_wait3A_87 = tpu.memref_squeeze %dma_wait3A_86 : memref<1x128xi32, #tpu.memory_space<vmem>> -> memref<128xi32, #tpu.memory_space<vmem>>
      %dma_wait3A_88 = arith.constant 0 : i32
      %dma_wait3A_89 = arith.constant 0 : i32
      %dma_wait3A_90 = tpu.memref_slice %arg2[%arg0, %dma_wait3A_88, %dma_wait3A_89] : memref<2x10240x128xf32, #tpu.memory_space<hbm>> -> memref<1x10240x128xf32, #tpu.memory_space<hbm>>
      %dma_wait3A_91 = tpu.memref_squeeze %dma_wait3A_90 : memref<1x10240x128xf32, #tpu.memory_space<hbm>> -> memref<10240x128xf32, #tpu.memory_space<hbm>>
      %dma_wait3A_92 = arith.constant 0 : i32
      %dma_wait3A_93 = arith.constant 0 : i32
      %dma_wait3A_94 = tpu.memref_slice %dma_wait3A_91[%dma_wait3A_92, %dma_wait3A_93] : memref<10240x128xf32, #tpu.memory_space<hbm>> -> memref<10240x128xf32, #tpu.memory_space<hbm>>
      tpu.wait_indirect_dma semaphore(%arg11 : memref<!tpu.dma_semaphore, #tpu.memory_space<semaphore_mem>>) src(%dma_wait3A_94 : memref<10240x128xf32, #tpu.memory_space<hbm>>) dst(%arg8 : memref<128x128xf32, #tpu.memory_space<vmem>>)
      %dma_start3A_95 = arith.constant 0 : i32
      %dma_start3A_96 = tpu.memref_slice %arg7[%mul3A_61, %dma_start3A_95] : memref<40x128xi32, #tpu.memory_space<vmem>> -> memref<1x128xi32, #tpu.memory_space<vmem>>
      %dma_start3A_97 = tpu.memref_squeeze %dma_start3A_96 : memref<1x128xi32, #tpu.memory_space<vmem>> -> memref<128xi32, #tpu.memory_space<vmem>>
      %dma_start3A_98 = arith.constant 0 : i32
      %dma_start3A_99 = arith.constant 0 : i32
      %dma_start3A_100 = tpu.memref_slice %arg10[%dma_start3A_98, %dma_start3A_99] : memref<10240x128xf32, #tpu.memory_space<vmem_shared>> -> memref<10240x128xf32, #tpu.memory_space<vmem_shared>>
      tpu.enqueue_indirect_dma source(%arg8 : memref<128x128xf32, #tpu.memory_space<vmem>>) target(%dma_start3A_100 : memref<10240x128xf32, #tpu.memory_space<vmem_shared>>) offsets(%dma_start3A_97 : memref<128xi32, #tpu.memory_space<vmem>>) semaphore(%arg13 : memref<!tpu.dma_semaphore, #tpu.memory_space<semaphore_mem>>) {add = true}
      %dma_wait3A_101 = arith.constant 0 : i32
      %dma_wait3A_102 = tpu.memref_slice %arg6[%add3A_74, %dma_wait3A_101] : memref<40x128xi32, #tpu.memory_space<vmem>> -> memref<1x128xi32, #tpu.memory_space<vmem>>
      %dma_wait3A_103 = tpu.memref_squeeze %dma_wait3A_102 : memref<1x128xi32, #tpu.memory_space<vmem>> -> memref<128xi32, #tpu.memory_space<vmem>>
      %dma_wait3A_104 = arith.constant 0 : i32
      %dma_wait3A_105 = arith.constant 0 : i32
      %dma_wait3A_106 = tpu.memref_slice %arg2[%arg0, %dma_wait3A_104, %dma_wait3A_105] : memref<2x10240x128xf32, #tpu.memory_space<hbm>> -> memref<1x10240x128xf32, #tpu.memory_space<hbm>>
      %dma_wait3A_107 = tpu.memref_squeeze %dma_wait3A_106 : memref<1x10240x128xf32, #tpu.memory_space<hbm>> -> memref<10240x128xf32, #tpu.memory_space<hbm>>
      %dma_wait3A_108 = arith.constant 0 : i32
      %dma_wait3A_109 = arith.constant 0 : i32
      %dma_wait3A_110 = tpu.memref_slice %dma_wait3A_107[%dma_wait3A_108, %dma_wait3A_109] : memref<10240x128xf32, #tpu.memory_space<hbm>> -> memref<10240x128xf32, #tpu.memory_space<hbm>>
      tpu.wait_indirect_dma semaphore(%arg12 : memref<!tpu.dma_semaphore, #tpu.memory_space<semaphore_mem>>) src(%dma_wait3A_110 : memref<10240x128xf32, #tpu.memory_space<hbm>>) dst(%arg9 : memref<128x128xf32, #tpu.memory_space<vmem>>)
      %add3A_111 = arith.constant 1 : i32
      %add3A_112 = arith.addi %mul3A_61, %add3A_111 : i32
      %dma_start3A_113 = arith.constant 0 : i32
      %dma_start3A_114 = tpu.memref_slice %arg7[%add3A_112, %dma_start3A_113] : memref<40x128xi32, #tpu.memory_space<vmem>> -> memref<1x128xi32, #tpu.memory_space<vmem>>
      %dma_start3A_115 = tpu.memref_squeeze %dma_start3A_114 : memref<1x128xi32, #tpu.memory_space<vmem>> -> memref<128xi32, #tpu.memory_space<vmem>>
      %dma_start3A_116 = arith.constant 0 : i32
      %dma_start3A_117 = arith.constant 0 : i32
      %dma_start3A_118 = tpu.memref_slice %arg10[%dma_start3A_116, %dma_start3A_117] : memref<10240x128xf32, #tpu.memory_space<vmem_shared>> -> memref<10240x128xf32, #tpu.memory_space<vmem_shared>>
      tpu.enqueue_indirect_dma source(%arg9 : memref<128x128xf32, #tpu.memory_space<vmem>>) target(%dma_start3A_118 : memref<10240x128xf32, #tpu.memory_space<vmem_shared>>) offsets(%dma_start3A_115 : memref<128xi32, #tpu.memory_space<vmem>>) semaphore(%arg14 : memref<!tpu.dma_semaphore, #tpu.memory_space<semaphore_mem>>) {add = true}
    }
    %scan3A_36 = arith.constant 20 : i32
    %dma_wait3A_37 = arith.constant 38 : i32
    %dma_wait3A_38 = arith.constant 0 : i32
    %dma_wait3A_39 = tpu.memref_slice %arg7[%dma_wait3A_37, %dma_wait3A_38] : memref<40x128xi32, #tpu.memory_space<vmem>> -> memref<1x128xi32, #tpu.memory_space<vmem>>
    %dma_wait3A_40 = tpu.memref_squeeze %dma_wait3A_39 : memref<1x128xi32, #tpu.memory_space<vmem>> -> memref<128xi32, #tpu.memory_space<vmem>>
    %dma_wait3A_41 = arith.constant 0 : i32
    %dma_wait3A_42 = arith.constant 0 : i32
    %dma_wait3A_43 = tpu.memref_slice %arg10[%dma_wait3A_41, %dma_wait3A_42] : memref<10240x128xf32, #tpu.memory_space<vmem_shared>> -> memref<10240x128xf32, #tpu.memory_space<vmem_shared>>
    tpu.wait_indirect_dma semaphore(%arg13 : memref<!tpu.dma_semaphore, #tpu.memory_space<semaphore_mem>>) src(%arg8 : memref<128x128xf32, #tpu.memory_space<vmem>>) dst(%dma_wait3A_43 : memref<10240x128xf32, #tpu.memory_space<vmem_shared>>)
    %dma_wait3A_44 = arith.constant 39 : i32
    %dma_wait3A_45 = arith.constant 0 : i32
    %dma_wait3A_46 = tpu.memref_slice %arg7[%dma_wait3A_44, %dma_wait3A_45] : memref<40x128xi32, #tpu.memory_space<vmem>> -> memref<1x128xi32, #tpu.memory_space<vmem>>
    %dma_wait3A_47 = tpu.memref_squeeze %dma_wait3A_46 : memref<1x128xi32, #tpu.memory_space<vmem>> -> memref<128xi32, #tpu.memory_space<vmem>>
    %dma_wait3A_48 = arith.constant 0 : i32
    %dma_wait3A_49 = arith.constant 0 : i32
    %dma_wait3A_50 = tpu.memref_slice %arg10[%dma_wait3A_48, %dma_wait3A_49] : memref<10240x128xf32, #tpu.memory_space<vmem_shared>> -> memref<10240x128xf32, #tpu.memory_space<vmem_shared>>
    tpu.wait_indirect_dma semaphore(%arg14 : memref<!tpu.dma_semaphore, #tpu.memory_space<semaphore_mem>>) src(%arg9 : memref<128x128xf32, #tpu.memory_space<vmem>>) dst(%dma_wait3A_50 : memref<10240x128xf32, #tpu.memory_space<vmem_shared>>)
    %barrier3A_51 = arith.constant 0 : index
    tpu.barrier barrier_id(%barrier3A_51)
    %mul3A_52 = arith.constant 640 : i32
    %mul3A_53 = arith.muli %arg1, %mul3A_52 : i32
    %mul3A_54 = arith.constant 10240 : i32
    %mul3A_55 = arith.muli %arg0, %mul3A_54 : i32
    %mul3A_56 = arith.constant 640 : i32
    %mul3A_57 = arith.muli %arg1, %mul3A_56 : i32
    %add3A_58 = arith.addi %mul3A_55, %mul3A_57 : i32
    "tpu.region"() ({
      %run_scoped3A = tpu.sem_alloc : memref<!tpu.dma_semaphore, #tpu.memory_space<semaphore_mem>>
      %dma_start3A = arith.constant 0 : i32
      %dma_start3A_59 = tpu.memref_slice %arg5[%add3A_58, %dma_start3A] : memref<20480x128xf32, #tpu.memory_space<hbm>> -> memref<640x128xf32, #tpu.memory_space<hbm>>
      %dma_start3A_60 = arith.constant 0 : i32
      %dma_start3A_61 = tpu.memref_slice %arg10[%mul3A_53, %dma_start3A_60] : memref<10240x128xf32, #tpu.memory_space<vmem_shared>> -> memref<640x128xf32, #tpu.memory_space<vmem_shared>>
      tpu.enqueue_dma source(%dma_start3A_61 : memref<640x128xf32, #tpu.memory_space<vmem_shared>>) target(%dma_start3A_59 : memref<640x128xf32, #tpu.memory_space<hbm>>) target_semaphore(%run_scoped3A : memref<!tpu.dma_semaphore, #tpu.memory_space<semaphore_mem>>)
      %dma_wait3A_62 = arith.constant 0 : i32
      %dma_wait3A_63 = tpu.memref_slice %arg5[%add3A_58, %dma_wait3A_62] : memref<20480x128xf32, #tpu.memory_space<hbm>> -> memref<640x128xf32, #tpu.memory_space<hbm>>
      %dma_wait3A_64 = arith.constant 0 : i32
      %dma_wait3A_65 = tpu.memref_slice %arg10[%mul3A_53, %dma_wait3A_64] : memref<10240x128xf32, #tpu.memory_space<vmem_shared>> -> memref<640x128xf32, #tpu.memory_space<vmem_shared>>
      tpu.wait_dma2 semaphore(%run_scoped3A : memref<!tpu.dma_semaphore, #tpu.memory_space<semaphore_mem>>) src(%dma_wait3A_65 : memref<640x128xf32, #tpu.memory_space<vmem_shared>>) dst(%dma_wait3A_63 : memref<640x128xf32, #tpu.memory_space<hbm>>)
      tpu.yield
    }) : () -> ()
    return
  }
}

module attributes {stable_mosaic.version = 14 : i64} {
  func.func @_mm1_body(%arg0: i32, %arg1: i32, %arg2: memref<256x256xf32, #tpu.memory_space<vmem>>, %arg3: memref<256x128xf32, #tpu.memory_space<vmem>>, %arg4: memref<256x1xf32, #tpu.memory_space<vmem>>, %arg5: memref<256x1xf32, #tpu.memory_space<vmem>>, %arg6: memref<1x256x128xf32, #tpu.memory_space<vmem>>) attributes {dimension_semantics = [#tpu.dimension_semantics<arbitrary>, #tpu.dimension_semantics<arbitrary>], iteration_bounds = array<i64: 2, 40>, scalar_prefetch = 0 : i64, scratch_operands = 0 : i64, tpu.core_type = #tpu.core_type<tc>, window_params = [{transform_indices = @transform_0, window_bounds = array<i64: 256, 256>}, {transform_indices = @transform_1, window_bounds = array<i64: 256, 128>}, {transform_indices = @transform_2, window_bounds = array<i64: 256, 1>}, {transform_indices = @transform_3, window_bounds = array<i64: 256, 1>}, {transform_indices = @transform_4, window_bounds = array<i64: 1, 256, 128>}]} {
    %get3A = arith.constant 0 : index
    %get3A_0 = arith.constant 0 : index
    %get3A_1 = vector.load %arg2[%get3A, %get3A_0] : memref<256x256xf32, #tpu.memory_space<vmem>>, vector<256x256xf32>
    %get3A_2 = arith.constant 0 : index
    %get3A_3 = arith.constant 0 : index
    %get3A_4 = vector.load %arg3[%get3A_2, %get3A_3] : memref<256x128xf32, #tpu.memory_space<vmem>>, vector<256x128xf32>
    %dot_general3A = arith.constant dense<0.000000e+00> : vector<256x128xf32>
    %dot_general3A_5 = tpu.matmul %get3A_1, %get3A_4, %dot_general3A {dimension_numbers = #tpu.dot_dimension_numbers<[1], [0], [0], [1], [0, 0, 1, 1], [], []>, transpose_lhs_hint = false} : vector<256x256xf32>, vector<256x128xf32>, vector<256x128xf32> -> vector<256x128xf32>
    %get3A_6 = arith.constant 0 : index
    %get3A_7 = arith.constant 0 : index
    %get3A_8 = vector.load %arg4[%get3A_6, %get3A_7] : memref<256x1xf32, #tpu.memory_space<vmem>>, vector<256x1xf32>
    %add3A = arith.constant 1.000000e+00 : f32
    %add3A_9 = vector.broadcast %add3A : f32 to vector<256x1xf32>
    %add3A_10 = arith.addf %add3A_9, %get3A_8 : vector<256x1xf32>
    %get3A_11 = arith.constant 0 : index
    %get3A_12 = arith.constant 0 : index
    %get3A_13 = vector.load %arg5[%get3A_11, %get3A_12] : memref<256x1xf32, #tpu.memory_space<vmem>>, vector<256x1xf32>
    %add3A_14 = arith.addf %add3A_10, %get3A_13 : vector<256x1xf32>
    %rsqrt3A = math.rsqrt %add3A_14 : vector<256x1xf32>
    %mul3A = vector.broadcast %rsqrt3A : vector<256x1xf32> to vector<256x128xf32>
    %mul3A_15 = arith.mulf %mul3A, %dot_general3A_5 : vector<256x128xf32>
    %swap3A = arith.constant 0 : index
    %swap3A_16 = arith.constant 0 : index
    %swap3A_17 = arith.constant 0 : index
    %swap3A_18 = vector.load %arg6[%swap3A, %swap3A_16, %swap3A_17] : memref<1x256x128xf32, #tpu.memory_space<vmem>>, vector<1x256x128xf32>
    %swap3A_19 = vector.shape_cast %swap3A_18 : vector<1x256x128xf32> to vector<256x128xf32>
    %swap3A_20 = vector.shape_cast %mul3A_15 : vector<256x128xf32> to vector<1x256x128xf32>
    tpu.vector_store %arg6[%swap3A, %swap3A_16, %swap3A_17], %swap3A_20 {strides = array<i32>} : memref<1x256x128xf32, #tpu.memory_space<vmem>>, vector<1x256x128xf32>,
    return
  }
  func.func @transform_0(%arg0: i32, %arg1: i32) -> (i32, i32) {
    %c0_i32 = arith.constant 0 : i32
    %c0_i32_0 = arith.constant 0 : i32
    return %arg1, %c0_i32 : i32, i32
  }
  func.func @transform_1(%arg0: i32, %arg1: i32) -> (i32, i32) {
    %c0_i32 = arith.constant 0 : i32
    %c0_i32_0 = arith.constant 0 : i32
    return %c0_i32, %arg0 : i32, i32
  }
  func.func @transform_2(%arg0: i32, %arg1: i32) -> (i32, i32) {
    %c0_i32 = arith.constant 0 : i32
    %c0_i32_0 = arith.constant 0 : i32
    return %arg1, %c0_i32 : i32, i32
  }
  func.func @transform_3(%arg0: i32, %arg1: i32) -> (i32, i32) {
    %add3A = arith.constant 40 : i32
    %add3A_0 = arith.addi %arg1, %add3A : i32
    %c0_i32 = arith.constant 0 : i32
    %c0_i32_1 = arith.constant 0 : i32
    return %add3A_0, %c0_i32 : i32, i32
  }
  func.func @transform_4(%arg0: i32, %arg1: i32) -> (i32, i32, i32) {
    %c0_i32 = arith.constant 0 : i32
    %c0_i32_0 = arith.constant 0 : i32
    return %arg0, %arg1, %c0_i32 : i32, i32, i32
  }
}

module attributes {stable_mosaic.version = 14 : i64} {
  func.func @_mm2_body(%arg0: i32, %arg1: memref<256x128xf32, #tpu.memory_space<vmem>>, %arg2: memref<256x128xf32, #tpu.memory_space<vmem>>, %arg3: memref<256x1xf32, #tpu.memory_space<vmem>>, %arg4: memref<256x1xf32, #tpu.memory_space<vmem>>, %arg5: memref<1x256xf32, #tpu.memory_space<vmem>>, %arg6: memref<256x64xf32, #tpu.memory_space<vmem>>, %arg7: memref<256x128xf32, #tpu.memory_space<vmem>>) attributes {dimension_semantics = [#tpu.dimension_semantics<arbitrary>], iteration_bounds = array<i64: 40>, scalar_prefetch = 0 : i64, scratch_operands = 0 : i64, tpu.core_type = #tpu.core_type<tc>, window_params = [{transform_indices = @transform_0, window_bounds = array<i64: 256, 128>}, {transform_indices = @transform_1, window_bounds = array<i64: 256, 128>}, {transform_indices = @transform_2, window_bounds = array<i64: 256, 1>}, {transform_indices = @transform_3, window_bounds = array<i64: 256, 1>}, {pipeline_mode = #tpu.pipeline_mode<synchronous>, transform_indices = @transform_4, window_bounds = array<i64: 1, 256>}, {pipeline_mode = #tpu.pipeline_mode<synchronous>, transform_indices = @transform_5, window_bounds = array<i64: 256, 64>}, {transform_indices = @transform_6, window_bounds = array<i64: 256, 128>}]} {
    %get3A = arith.constant 0 : index
    %get3A_0 = arith.constant 0 : index
    %get3A_1 = vector.load %arg3[%get3A, %get3A_0] : memref<256x1xf32, #tpu.memory_space<vmem>>, vector<256x1xf32>
    %add3A = arith.constant 1.000000e+00 : f32
    %add3A_2 = vector.broadcast %add3A : f32 to vector<256x1xf32>
    %add3A_3 = arith.addf %add3A_2, %get3A_1 : vector<256x1xf32>
    %get3A_4 = arith.constant 0 : index
    %get3A_5 = arith.constant 0 : index
    %get3A_6 = vector.load %arg4[%get3A_4, %get3A_5] : memref<256x1xf32, #tpu.memory_space<vmem>>, vector<256x1xf32>
    %add3A_7 = arith.addf %add3A_3, %get3A_6 : vector<256x1xf32>
    %rsqrt3A = math.rsqrt %add3A_7 : vector<256x1xf32>
    %get3A_8 = arith.constant 0 : index
    %get3A_9 = arith.constant 0 : index
    %get3A_10 = vector.load %arg1[%get3A_8, %get3A_9] : memref<256x128xf32, #tpu.memory_space<vmem>>, vector<256x128xf32>
    %mul3A = vector.broadcast %rsqrt3A : vector<256x1xf32> to vector<256x128xf32>
    %mul3A_11 = arith.mulf %mul3A, %get3A_10 : vector<256x128xf32>
    %get3A_12 = arith.constant 0 : index
    %get3A_13 = arith.constant 0 : index
    %get3A_14 = vector.load %arg5[%get3A_12, %get3A_13] : memref<1x256xf32, #tpu.memory_space<vmem>>, vector<1x128xf32>
    %add3A_15 = vector.broadcast %get3A_14 : vector<1x128xf32> to vector<256x128xf32>
    %add3A_16 = arith.addf %mul3A_11, %add3A_15 : vector<256x128xf32>
    %max3A = arith.constant 0.000000e+00 : f32
    %max3A_17 = vector.broadcast %max3A : f32 to vector<256x128xf32>
    %max3A_18 = arith.maximumf %add3A_16, %max3A_17 : vector<256x128xf32>
    %get3A_19 = arith.constant 0 : index
    %get3A_20 = arith.constant 0 : index
    %get3A_21 = vector.load %arg2[%get3A_19, %get3A_20] : memref<256x128xf32, #tpu.memory_space<vmem>>, vector<256x128xf32>
    %mul3A_22 = vector.broadcast %rsqrt3A : vector<256x1xf32> to vector<256x128xf32>
    %mul3A_23 = arith.mulf %mul3A_22, %get3A_21 : vector<256x128xf32>
    %get3A_24 = arith.constant 0 : index
    %get3A_25 = arith.constant 128 : index
    %get3A_26 = vector.load %arg5[%get3A_24, %get3A_25] : memref<1x256xf32, #tpu.memory_space<vmem>>, vector<1x128xf32>
    %add3A_27 = vector.broadcast %get3A_26 : vector<1x128xf32> to vector<256x128xf32>
    %add3A_28 = arith.addf %mul3A_23, %add3A_27 : vector<256x128xf32>
    %max3A_29 = arith.constant 0.000000e+00 : f32
    %max3A_30 = vector.broadcast %max3A_29 : f32 to vector<256x128xf32>
    %max3A_31 = arith.maximumf %add3A_28, %max3A_30 : vector<256x128xf32>
    %get3A_32 = arith.constant 0 : index
    %get3A_33 = arith.constant 0 : index
    %get3A_34 = vector.load %arg6[%get3A_32, %get3A_33] : memref<256x64xf32, #tpu.memory_space<vmem>>, vector<128x64xf32>
    %dot_general3A = arith.constant dense<0.000000e+00> : vector<256x64xf32>
    %dot_general3A_35 = tpu.matmul %max3A_18, %get3A_34, %dot_general3A {dimension_numbers = #tpu.dot_dimension_numbers<[1], [0], [0], [1], [0, 0, 1, 1], [], []>, transpose_lhs_hint = false} : vector<256x128xf32>, vector<128x64xf32>, vector<256x64xf32> -> vector<256x64xf32>
    %get3A_36 = arith.constant 128 : index
    %get3A_37 = arith.constant 0 : index
    %get3A_38 = vector.load %arg6[%get3A_36, %get3A_37] : memref<256x64xf32, #tpu.memory_space<vmem>>, vector<128x64xf32>
    %dot_general3A_39 = arith.constant dense<0.000000e+00> : vector<256x64xf32>
    %dot_general3A_40 = tpu.matmul %max3A_31, %get3A_38, %dot_general3A_39 {dimension_numbers = #tpu.dot_dimension_numbers<[1], [0], [0], [1], [0, 0, 1, 1], [], []>, transpose_lhs_hint = false} : vector<256x128xf32>, vector<128x64xf32>, vector<256x64xf32> -> vector<256x64xf32>
    %add3A_41 = arith.addf %dot_general3A_35, %dot_general3A_40 : vector<256x64xf32>
    %mul3A_42 = vector.broadcast %rsqrt3A : vector<256x1xf32> to vector<256x64xf32>
    %mul3A_43 = arith.mulf %mul3A_42, %add3A_41 : vector<256x64xf32>
    %jit3A = arith.constant 0 : i32
    %convert_element_type3A = arith.sitofp %jit3A : i32 to f32
    %pad3A = vector.broadcast %convert_element_type3A : f32 to vector<256x64xf32>
    %pad3A_44 = tpu.concatenate %mul3A_43, %pad3A in 1 : vector<256x64xf32>, vector<256x64xf32> -> vector<256x128xf32>
    %swap3A = arith.constant 0 : index
    %swap3A_45 = arith.constant 0 : index
    %swap3A_46 = vector.load %arg7[%swap3A, %swap3A_45] : memref<256x128xf32, #tpu.memory_space<vmem>>, vector<256x128xf32>
    tpu.vector_store %arg7[%swap3A, %swap3A_45], %pad3A_44 {strides = array<i32>} : memref<256x128xf32, #tpu.memory_space<vmem>>, vector<256x128xf32>,
    return
  }
  func.func @transform_0(%arg0: i32) -> (i32, i32) {
    %c0_i32 = arith.constant 0 : i32
    %c0_i32_0 = arith.constant 0 : i32
    return %arg0, %c0_i32 : i32, i32
  }
  func.func @transform_1(%arg0: i32) -> (i32, i32) {
    %add3A = arith.constant 40 : i32
    %add3A_0 = arith.addi %arg0, %add3A : i32
    %c0_i32 = arith.constant 0 : i32
    %c0_i32_1 = arith.constant 0 : i32
    return %add3A_0, %c0_i32 : i32, i32
  }
  func.func @transform_2(%arg0: i32) -> (i32, i32) {
    %c0_i32 = arith.constant 0 : i32
    %c0_i32_0 = arith.constant 0 : i32
    return %arg0, %c0_i32 : i32, i32
  }
  func.func @transform_3(%arg0: i32) -> (i32, i32) {
    %add3A = arith.constant 40 : i32
    %add3A_0 = arith.addi %arg0, %add3A : i32
    %c0_i32 = arith.constant 0 : i32
    %c0_i32_1 = arith.constant 0 : i32
    return %add3A_0, %c0_i32 : i32, i32
  }
  func.func @transform_4(%arg0: i32) -> (i32, i32) {
    %c0_i32 = arith.constant 0 : i32
    %c0_i32_0 = arith.constant 0 : i32
    %c0_i32_1 = arith.constant 0 : i32
    return %c0_i32, %c0_i32_0 : i32, i32
  }
  func.func @transform_5(%arg0: i32) -> (i32, i32) {
    %c0_i32 = arith.constant 0 : i32
    %c0_i32_0 = arith.constant 0 : i32
    %c0_i32_1 = arith.constant 0 : i32
    return %c0_i32, %c0_i32_0 : i32, i32
  }
  func.func @transform_6(%arg0: i32) -> (i32, i32) {
    %c0_i32 = arith.constant 0 : i32
    %c0_i32_0 = arith.constant 0 : i32
    return %arg0, %c0_i32 : i32, i32
  }
}

module attributes {stable_mosaic.version = 14 : i64} {
  func.func @_fin_body(%arg0: i32, %arg1: memref<256x128xf32, #tpu.memory_space<vmem>>, %arg2: memref<256x128xf32, #tpu.memory_space<vmem>>, %arg3: memref<256x128xf32, #tpu.memory_space<vmem>>, %arg4: memref<256x1xf32, #tpu.memory_space<vmem>>, %arg5: memref<256x1xf32, #tpu.memory_space<vmem>>, %arg6: memref<1x64xf32, #tpu.memory_space<vmem>>, %arg7: memref<256x64xf32, #tpu.memory_space<vmem>>) attributes {dimension_semantics = [#tpu.dimension_semantics<arbitrary>], iteration_bounds = array<i64: 40>, scalar_prefetch = 0 : i64, scratch_operands = 0 : i64, tpu.core_type = #tpu.core_type<tc>, window_params = [{transform_indices = @transform_0, window_bounds = array<i64: 256, 128>}, {transform_indices = @transform_1, window_bounds = array<i64: 256, 128>}, {transform_indices = @transform_2, window_bounds = array<i64: 256, 128>}, {transform_indices = @transform_3, window_bounds = array<i64: 256, 1>}, {transform_indices = @transform_4, window_bounds = array<i64: 256, 1>}, {pipeline_mode = #tpu.pipeline_mode<synchronous>, transform_indices = @transform_5, window_bounds = array<i64: 1, 64>}, {transform_indices = @transform_6, window_bounds = array<i64: 256, 64>}]} {
    %get3A = arith.constant 0 : index
    %get3A_0 = arith.constant 0 : index
    %get3A_1 = vector.load %arg4[%get3A, %get3A_0] : memref<256x1xf32, #tpu.memory_space<vmem>>, vector<256x1xf32>
    %add3A = arith.constant 1.000000e+00 : f32
    %add3A_2 = vector.broadcast %add3A : f32 to vector<256x1xf32>
    %add3A_3 = arith.addf %add3A_2, %get3A_1 : vector<256x1xf32>
    %get3A_4 = arith.constant 0 : index
    %get3A_5 = arith.constant 0 : index
    %get3A_6 = vector.load %arg5[%get3A_4, %get3A_5] : memref<256x1xf32, #tpu.memory_space<vmem>>, vector<256x1xf32>
    %add3A_7 = arith.addf %add3A_3, %get3A_6 : vector<256x1xf32>
    %rsqrt3A = math.rsqrt %add3A_7 : vector<256x1xf32>
    %get3A_8 = arith.constant 0 : index
    %get3A_9 = arith.constant 0 : index
    %get3A_10 = vector.load %arg1[%get3A_8, %get3A_9] : memref<256x128xf32, #tpu.memory_space<vmem>>, vector<256x64xf32>
    %get3A_11 = arith.constant 0 : index
    %get3A_12 = arith.constant 0 : index
    %get3A_13 = vector.load %arg2[%get3A_11, %get3A_12] : memref<256x128xf32, #tpu.memory_space<vmem>>, vector<256x64xf32>
    %add3A_14 = arith.addf %get3A_10, %get3A_13 : vector<256x64xf32>
    %get3A_15 = arith.constant 0 : index
    %get3A_16 = arith.constant 0 : index
    %get3A_17 = vector.load %arg3[%get3A_15, %get3A_16] : memref<256x128xf32, #tpu.memory_space<vmem>>, vector<256x64xf32>
    %sub3A = arith.subf %add3A_14, %get3A_17 : vector<256x64xf32>
    %mul3A = vector.broadcast %rsqrt3A : vector<256x1xf32> to vector<256x64xf32>
    %mul3A_18 = arith.mulf %mul3A, %sub3A : vector<256x64xf32>
    %get3A_19 = arith.constant 0 : index
    %get3A_20 = arith.constant 0 : index
    %get3A_21 = vector.load %arg6[%get3A_19, %get3A_20] : memref<1x64xf32, #tpu.memory_space<vmem>>, vector<1x64xf32>
    %add3A_22 = vector.broadcast %get3A_21 : vector<1x64xf32> to vector<256x64xf32>
    %add3A_23 = arith.addf %mul3A_18, %add3A_22 : vector<256x64xf32>
    %swap3A = arith.constant 0 : index
    %swap3A_24 = arith.constant 0 : index
    %swap3A_25 = vector.load %arg7[%swap3A, %swap3A_24] : memref<256x64xf32, #tpu.memory_space<vmem>>, vector<256x64xf32>
    tpu.vector_store %arg7[%swap3A, %swap3A_24], %add3A_23 {strides = array<i32>} : memref<256x64xf32, #tpu.memory_space<vmem>>, vector<256x64xf32>,
    return
  }
  func.func @transform_0(%arg0: i32) -> (i32, i32) {
    %c0_i32 = arith.constant 0 : i32
    %c0_i32_0 = arith.constant 0 : i32
    return %arg0, %c0_i32 : i32, i32
  }
  func.func @transform_1(%arg0: i32) -> (i32, i32) {
    %add3A = arith.constant 40 : i32
    %add3A_0 = arith.addi %arg0, %add3A : i32
    %c0_i32 = arith.constant 0 : i32
    %c0_i32_1 = arith.constant 0 : i32
    return %add3A_0, %c0_i32 : i32, i32
  }
  func.func @transform_2(%arg0: i32) -> (i32, i32) {
    %c0_i32 = arith.constant 0 : i32
    %c0_i32_0 = arith.constant 0 : i32
    return %arg0, %c0_i32 : i32, i32
  }
  func.func @transform_3(%arg0: i32) -> (i32, i32) {
    %c0_i32 = arith.constant 0 : i32
    %c0_i32_0 = arith.constant 0 : i32
    return %arg0, %c0_i32 : i32, i32
  }
  func.func @transform_4(%arg0: i32) -> (i32, i32) {
    %add3A = arith.constant 40 : i32
    %add3A_0 = arith.addi %arg0, %add3A : i32
    %c0_i32 = arith.constant 0 : i32
    %c0_i32_1 = arith.constant 0 : i32
    return %add3A_0, %c0_i32 : i32, i32
  }
  func.func @transform_5(%arg0: i32) -> (i32, i32) {
    %c0_i32 = arith.constant 0 : i32
    %c0_i32_0 = arith.constant 0 : i32
    %c0_i32_1 = arith.constant 0 : i32
    return %c0_i32, %c0_i32_0 : i32, i32
  }
  func.func @transform_6(%arg0: i32) -> (i32, i32) {
    %c0_i32 = arith.constant 0 : i32
    %c0_i32_0 = arith.constant 0 : i32
    return %arg0, %c0_i32 : i32, i32
  }
}

</mosaic_0001>

<sc_bundles>
// kernel: kernel.11.cloned.1.call-start
scs
__scs_entry_jumppad:
0x0: {  	(pc) =	sbr.rel $0x88, $3  }
0x1: {  	(tag) =	ssettag $0x0;
	lr =	simm.s32 $0x1  }
0x2: {  	[smem:$0x3F9B] =	sst lr;
	_ =	strace $0xD0000000  }
0x3: {  	_ = 	snop  }
0x4: {  	_ = 	snop  }
0x5: {  	_ = 	snop  }
0x6: {  	_ = 	snop  }
0x7: {  	_ = 	snop  }
__scs_overlays_trampoline_lowered:
0x8: {  	[smem:$0x3FAA] =	sst s0  }
0x9: {  	[smem:$0x3FAB] =	sst s1  }
0xa: {  	[smem:$0x3FAC] =	sst s2  }
0xb: {  	[smem:$0x3FAD] =	sst s3  }
0xc: {  	[smem:$0x3FAE] =	sst s4  }
0xd: {  	[smem:$0x3FAF] =	sst s5  }
0xe: {  	[smem:$0x3FB0] =	sst s6  }
0xf: {  	[smem:$0x3FB1] =	sst s7  }
0x10: {  	[smem:$0x3FB2] =	sst s8  }
0x11: {  	[smem:$0x3FB3] =	sst s9;
	s0 =	simm.s32 @!p0 $0x0  }
0x12: {  	s1 =	sld [smem:$0x3F99];
	s0 =	simm.s32 @p0 $0x1  }
0x13: {  	[smem:$0x3FB4] =	sst s0;
	s0 =	simm.s32 @!p1 $0x0  }
0x14: {  	s2 =	sld [smem:$0x3F98];
	s0 =	simm.s32 @p1 $0x1  }
0x15: {  	[smem:$0x3FB5] =	sst s0;
	s0 =	simm.s32 @!p2 $0x0  }
0x16: {  	s3 =	sld [smem:$0x3FDB];
	s0 =	simm.s32 @p2 $0x1  }
0x17: {  	s4 =	simm.s32 $0x1BF5;
	[smem:$0x3FB7] =	sst s0  }
0x18: {  	s0 =	sld [smem:$0x3F9A];
	_ =	swait.ge [sflag:s4], $0x0  }
0x19: {  	s7 =	sld [smem:$0x3F9B]  }
0x1a: {  	s8 =	sadd.s32 $0xFFFFE003, lr  }
0x1b: {  	s9 =	sadd.s32 $0xFFFFFEF7, lr;
	s5 =	simm.s32 $0xFFFFFFFF;
	p2 =	slt.u32 s8, $0xFFFFF086  }
0x1c: {  	p1 =	slt.u32 s9, $0xF7A;
	s5 =	simm.s32 @!p2 $0x0  }
0x1d: {  	s5 =	simm.s32 @p1 $0x1;
	p0 =	seq.s32 s7, s2  }
0x1e: {  	s7 =	smul.u32 @!p0 $0xF7A, s2;
	p2 =	seq.s32 @!p0 s5, $0x0  }
0x1f: {  	s9 =	smul.u32 $0xF7A, s1;
	s8 =	simm.s32 @!p0 $0x1BF5;
	p2 =	por !p2, p0  }
0x20: {  	[sflag:s8] =	ssyncset.s32 @!p0 $0xFFFFF086;
	s6 =	sadd.s32 @!p0 s3, s7;
	s7 =	simm.s32 @!p0 $0x108  }
0x21: {  	s3 =	sadd.s32 s3, s9;
	s6 =	sadd.s32 @!p0 $0x88, s6;
	s7 =	simm.s32 @p2 $0x1082  }
0x22: {  	[simem:s7], [sflag:s8] =	dma.local @!p0 [hbm:s6], $0xF7A  }
0x23: {  	s9 =	sor.u32 $0xD0000000, s2;
	s6 =	simm.s32 $0x108;
	_ =	swait.ge @!p0 [sflag:s8], $0x0  }
0x24: {  	s3 =	sadd.s32 $0x88, s3;
	s6 =	simm.s32 @!p1 $0x1082;
	[sflag:s4] =	ssyncset.s32 $0xFFFFF086  }
0x25: {  	[simem:s6], [sflag:s4] =	dma.local [hbm:s3], $0xF7A  }
0x26: {  	[smem:$0x3F9B] =	sst s1;
	(tag) =	ssettag s2;
	_ =	strace s9  }
0x27: {  	s1 =	sld [smem:$0x3FAB]  }
0x28: {  	s2 =	sld [smem:$0x3FAC]  }
0x29: {  	s4 =	sld [smem:$0x3FAE]  }
0x2a: {  	p0 =	seq.s32 s5, $0x0;
	s5 =	sld [smem:$0x3FAF]  }
0x2b: {  	s6 =	sld [smem:$0x3FB0]  }
0x2c: {  	s7 =	sld [smem:$0x3FB1]  }
0x2d: {  	s3 =	simm.s32 $0x108;
	s8 =	sld [smem:$0x3FB2]  }
0x2e: {  	s3 =	simm.s32 @!p0 $0x1082;
	s9 =	sld [smem:$0x3FB3]  }
0x2f: {  	lr =	sadd.s32 s0, s3;
	s0 =	sld [smem:$0x3FAA]  }
0x30: {  	s3 =	sld [smem:$0x3FAD]  }
0x31: {  	[smem:$0x3FB6] =	sst s10  }
0x32: {  	s10 =	sld [smem:$0x3FB4];
	_ =	sdelay $0x3  }
0x33: {  	p0 =	seq.s32 s10, $0x1;
	s10 =	sld [smem:$0x3FB6];
	_ =	sdelay $0x3  }
0x34: {  	[smem:$0x3FB6] =	sst s10  }
0x35: {  	s10 =	sld [smem:$0x3FB5];
	_ =	sdelay $0x3  }
0x36: {  	p1 =	seq.s32 s10, $0x1;
	s10 =	sld [smem:$0x3FB6];
	_ =	sdelay $0x3  }
0x37: {  	[smem:$0x3FB6] =	sst s10  }
0x38: {  	s10 =	sld [smem:$0x3FB7]  }
0x39: {  	_ = 	snop;
	(pc) =	sbr.ind lr, $3  }
0x3a: {  	_ = 	snop  }
0x3b: {  	_ = 	snop  }
0x3c: {  	p2 =	seq.s32 s10, $0x1;
	s10 =	sld [smem:$0x3FB6]  }
0x3d: {  	_ =	shalt  }
0x3e: {  	_ =	shalt  }
0x3f: {  	_ =	shalt  }
0x40: {  	_ =	shalt  }
0x41: {  	_ =	shalt  }
0x42: {  	_ =	shalt  }
0x43: {  	_ =	shalt  }
0x44: {  	_ =	shalt  }
0x45: {  	_ =	shalt  }
0x46: {  	_ =	shalt  }
0x47: {  	_ =	shalt  }
0x48: {  	_ =	shalt  }
0x49: {  	_ =	shalt  }
0x4a: {  	_ =	shalt  }
0x4b: {  	_ =	shalt  }
0x4c: {  	_ =	shalt  }
0x4d: {  	_ =	shalt  }
0x4e: {  	_ =	shalt  }
0x4f: {  	_ =	shalt  }
0x50: {  	_ =	shalt  }
0x51: {  	_ =	shalt  }
0x52: {  	_ =	shalt  }
0x53: {  	_ =	shalt  }
0x54: {  	_ =	shalt  }
0x55: {  	_ =	shalt  }
0x56: {  	_ =	shalt  }
0x57: {  	_ =	shalt  }
0x58: {  	_ =	shalt  }
0x59: {  	_ =	shalt  }
0x5a: {  	_ =	shalt  }
0x5b: {  	_ =	shalt  }
0x5c: {  	_ =	shalt  }
0x5d: {  	_ =	shalt  }
0x5e: {  	_ =	shalt  }
0x5f: {  	_ =	shalt  }
0x60: {  	_ =	shalt  }
0x61: {  	_ =	shalt  }
0x62: {  	_ =	shalt  }
0x63: {  	_ =	shalt  }
0x64: {  	_ =	shalt  }
0x65: {  	_ =	shalt  }
0x66: {  	_ =	shalt  }
0x67: {  	_ =	shalt  }
0x68: {  	_ =	shalt  }
0x69: {  	_ =	shalt  }
0x6a: {  	_ =	shalt  }
0x6b: {  	_ =	shalt  }
0x6c: {  	_ =	shalt  }
0x6d: {  	_ =	shalt  }
0x6e: {  	_ =	shalt  }
0x6f: {  	_ =	shalt  }
0x70: {  	_ =	shalt  }
0x71: {  	_ =	shalt  }
0x72: {  	_ =	shalt  }
0x73: {  	_ =	shalt  }
0x74: {  	_ =	shalt  }
0x75: {  	_ =	shalt  }
0x76: {  	_ =	shalt  }
0x77: {  	_ =	shalt  }
0x78: {  	_ =	shalt  }
0x79: {  	_ =	shalt  }
0x7a: {  	_ =	shalt  }
0x7b: {  	_ =	shalt  }
0x7c: {  	_ =	shalt  }
0x7d: {  	_ =	shalt  }
0x7e: {  	_ =	shalt  }
0x7f: {  	_ =	shalt  }
0x80: {  	_ =	shalt  }
0x81: {  	_ =	shalt  }
0x82: {  	_ =	shalt  }
0x83: {  	_ =	shalt  }
0x84: {  	_ =	shalt  }
0x85: {  	_ =	shalt  }
0x86: {  	_ =	shalt  }
0x87: {  	_ =	shalt  }
.Lfunc_end0:
.L_simem_size_0:
called_computation.1_lowered:
.L_overlay_start_0:
0x88: {  	s2 =	sld [smem:$0x3FD9]  }
0x89: {  	s3 =	sld [smem:$0x3FFE];
	_ =	sdelay $0x1  }
0x8a: {  	s1 =	srdreg.scid  }
0x8b: {  	s0 =	sand.u32 $0x1, s1  }
0x8c: {  	s16 =	sshll.u32 s0, $0xA;
	s2 =	sadd.s32 s3, s2  }
0x8d: {  	s2 =	sadd.s32 s2, s16  }
0x8e: {  	[smem:$0x3FC2] =	sst s2  }
0x8f: {  	_ = 	snop  }
0x90: {  	(tm) =	ssettm $0x1  }
0x91: {  	s17 =	sld [smem:$0x3FFB];
	_ =	sdelay $0x3  }
0x92: {  	_ =	strace s17  }
0x93: {  	s2 =	sld [smem:$0x3FFC];
	_ =	sdelay $0x3  }
0x94: {  	_ =	strace s2  }
0x95: {  	s2 =	sld [smem:$0x3FFD];
	_ =	sdelay $0x3  }
0x96: {  	_ =	strace s2  }
0x97: {  	_ =	strace $0x8FFFFFFF  }
0x98: {  	s18 =	sld [smem:$0x3FDB];
	_ =	sdelay $0x1  }
0x99: {  	s19 =	simm.s32 $_scs_section_size  }
0x9a: {  	s4 =	simm.s32 $_size__tile_overlayer_lowered;
	s5 =	simm.s32 $_tile_overlayer_lowered  }
0x9b: {  	s22 =	simm.s32 $0x1BFF;
	s21 =	sshll.u32 s5, $0x1;
	s2 =	sadd.s32 s19, s18  }
0x9c: {  	s6 =	simm.s32 $0x0;
	s20 =	sshll.u32 s4, $0x1;
	s4 =	sadd.s32 s21, s2  }
0x9d: {  	[timem:s6], [sflag:s22] =	dma.local [hbm:s4], s20  }
0x9e: {  	_ =	swait.ge [sflag:s22], s20  }
0x9f: {  	s3 =	ssub.s32 $0x0, s20;
	[sflag:s22] =	ssyncset.done $0x0  }
0xa0: {  	[sflag:s22] =	ssyncadd.s32 s3;
	_ =	sdelay $0x1  }
0xa1: {  	s23 =	simm.s32 $0x1B8B  }
0xa2: {  	_ =	swait.ge [sflag:s23], $0x1  }
0xa3: {  	[sflag:s23] =	ssyncset.done $0x0  }
0xa4: {  	s25 =	simm.s32 $0x1B8E;
	s24 =	sld [smem:$0x3FFE];
	[sflag:s23] =	ssyncadd.s32 $0xFFFFFFFF  }
0xa5: {  	s26 =	simm.s32 $execute0_lowered;
	[smem:$0x3FD2] =	sst s25  }
0xa6: {  	s4 =	sshll.u32 s26, $0x1;
	_ =	strace $0x80000049;
	[dreg:$0x1] =	wrdreg $0xFFFFFFFF  }
0xa7: {  	s28 =	simm.s32 $_size_execute0_lowered;
	s2 =	sadd.s32 s2, s4;
	[dreg:$0x0] =	wrdreg $0x0  }
0xa8: {  	s4 =	sshll.u32 s28, $0x1;
	[dreg:$0x2] =	wrdreg s2  }
0xa9: {  	[dreg:$0x3] =	wrdreg s4  }
0xaa: {  	[dreg:$0x4] =	wrdreg $0xC0  }
0xab: {  	_ =	task [dreg:s6], $0x5FFFF  }
0xac: {  	[dreg:$0x1] =	wrdreg $0xFFFFFFFF  }
0xad: {  	[dreg:$0x0] =	wrdreg $0x60  }
0xae: {  	[dreg:$0x2] =	wrdreg s24  }
0xaf: {  	[dreg:$0x3] =	wrdreg $0xA8000  }
0xb0: {  	[dreg:$0x4] =	wrdreg $0x9  }
0xb1: {  	_ =	task.clear_ibuf [dreg:s6], $0x5FFFF;
	_ =	strace $0x90000049  }
0xb2: {  	s29 =	simm.s32 $0x9;
	_ =	strace $0x8000004B  }
0xb3: {  	_ =	swait.ge [sflag:s29], $0x1  }
0xb4: {  	[sflag:s29] =	ssyncadd.s32 $0xFFFFFFFF  }
0xb5: {  	_ =	strace $0x9000004B  }
0xb6: {  	_ =	sfence  }
0xb7: {  	s30 =	sld [smem:$0x0];
	_ =	sdelay $0x2  }
0xb8: {  	s31 =	sshll.u32 s1, $0xD;
	s1 =	sshrl.u32 s1, $0x2  }
0xb9: {  	s3 =	sand.u32 $0x4000, s31;
	s1 =	sadd.s32 s1, s30  }
0xba: {  	s0 =	sor.u32 s3, s0;
	s1 =	sshll.u32 s1, $0x11  }
0xbb: {  	s0 =	sor.u32 s1, s0  }
0xbc: {  	s0 =	sadd.s32 $0x8F2B, s0  }
0xbd: {  	[sflag:s0] =	ssyncadd.remote.s32 $0x1  }
0xbe: {  	_ =	sfence.sel $0xFFFF  }
0xbf: {  	[dreg:$0x0] =	wrdreg $0xFFFFFFFF;
	(pc) =	sbr.abs _section_cstart, $3  }
0xc0: {  	[dreg:$0x1] =	wrdreg $0xFFFFFFFF  }
0xc1: {  	_ =	task.clear_ibuf [dreg:s6], $0x2FFFF;
	_ =	strace $0x9FFFFFFF  }
0xc2: {  	(tm) =	ssettm $0x7FFFFFFF  }
0xc3: {  	_ =	shalt  }
tec
execute0_lowered:
.L_overlay_start_1:
0x0: {  	(tag) =	ssettag $0x1  }
0x1: {  	s4 =	rddreg [dreg:$0x0]  }
0x2: {  	s1 =	rddreg [dreg:$0x1]  }
0x3: {  	s0 =	rddreg [dreg:$0x2];
	s2 =	simm.s32 $0x0;
	s3 =	srdreg.scid  }
0x4: {  	s15 =	simm.s32 $0x1400;
	s16 =	simm.s32 $0x80;
	s17 =	simm.s32 $0x2800  }
0x5: {  	s18 =	simm.s32 $0x6800;
	s19 =	simm.s32 $0x1;
	s20 =	simm.s32 $0x2  }
0x6: {  	s21 =	simm.s32 $0x1480;
	s22 =	simm.s32 $0x3;
	s23 =	simm.s32 $0x4  }
0x7: {  	s24 =	simm.s32 $0x0;
	[smem:$0x7FF] =	sst s2;
	s5 =	sand.u32 $0x1, s3  }
0x8: {  	s3 =	stileid.u32;
	s9 =	sadd.s32 $0x1800, s4;
	s6 =	smul.u32 $0x28000, s5  }
0x9: {  	s11 =	sadd.s32 $0x6800, s4;
	_ =	strace $0x8000004A;
	s7 =	smul.u32 $0x2800, s3  }
0xa: {  	s10 =	smul.u32 $0x50000, s3;
	s5 =	ssub.s32 $0x2, s5;
	s29 =	sshll.u32 s3, $0x6  }
0xb: {  	s30 =	smul.u32 $0x500, s3;
	s26 =	sshrl.u32 s5, $0x1;
	s8 =	sadd.s32 s6, s4  }
0xc: {  	s6 =	sadd.s32 s7, s6;
	s28 =	sshrl.u32 s10, $0x2;
	s13 =	ssub.s32 s5, s26  }
0xd: {  	s31 =	sshrl.u32 s7, $0x3;
	s12 =	sadd.s32 s6, s4;
	s14 =	sadd.s32 s28, s1  }
0xe: {  	s4 =	sadd.s32 $0x61A00, s8;
	s6 =	sor.u32 $0x1C05, s29;
	s10 =	sadd.s32 $0x280, s31  }
0xf: {  	s8 =	sadd.s32 s11, s30;
	s5 =	sadd.s32 s7, s4;
	s7 =	sadd.s32 s9, s30  }
0x10: {  	s9 =	sadd.s32 s9, s10;
	s10 =	sadd.s32 s11, s10;
	s11 =	sadd.s32 $0xB1A00, s12  }
0x11: {  	s12 =	smax.u32 s13, $0x1;
	s13 =	sshrl.u32 s14, $0x3;
	s14 =	simm.s32 $0x5  }
.LBB2_1:
0x12: {  	[spmem:s13], [sflag:s6] =	dma.local [hbm:s5], $0x2800  }
0x13: {  	_ =	swait.ge [sflag:s14], $0x2800  }
0x14: {  	[sflag:s14] =	ssyncset.done $0x0  }
0x15: {  	[sflag:s14] =	ssyncadd.s32 $0xFFFFD800  }
0x16: {  	[bflag:$0x0] =	sbarrier.arrive $0xFFFF  }
0x17: {  	[tilespmem:s2], [sflag:$0x5] =	stream.linear.gather [hbm4b:s7+s2], $0x1400, $0x38;
	[tilespmem:$0x1E800] =	vst v63  }
0x18: {  	_ =	swait.ge [sflag:s14], $0x1400  }
0x19: {  	[sflag:s14] =	ssyncset.done $0x0  }
0x1a: {  	[sflag:s14] =	ssyncadd.s32 $0xFFFFEC00  }
0x1b: {  	[tilespmem:s15], [sflag:$0x5] =	stream.linear.gather [hbm4b:s8+s2], $0x1400, $0x38;
	[tilespmem:$0x1E800] =	vst v63  }
0x1c: {  	_ =	swait.ge [sflag:s14], $0x1400  }
0x1d: {  	[sflag:s14] =	ssyncset.done $0x0  }
0x1e: {  	[sflag:s14] =	ssyncadd.s32 $0xFFFFEC00  }
0x1f: {  	[tilespmem:s17], [sflag:$0x1] =	stream.indirect.gather [hbm4b:s4+s16], $0x80, s2, s16, $0xb8;
	[tilespmem:$0x1E800] =	vst v63  }
0x20: {  	_ = 	snop  }
0x21: {  	[tilespmem:s18], [sflag:$0x2] =	stream.indirect.gather [hbm4b:s4+s16], $0x80, s16, s16, $0xb8;
	[tilespmem:$0x1E800] =	vst v63  }
0x22: {  	_ =	swait.ge [sflag:s19], $0x4000  }
0x23: {  	[sflag:s19] =	ssyncset.done $0x0  }
0x24: {  	[sflag:s19] =	ssyncadd.s32 $0xFFFFC000  }
0x25: {  	[spmem:s1] =	stream.indirect.scatter.add.f32 [tilespmem:s17], [sflag:$0x3], $0x80, s15, s16, $0xb8;
	[tilespmem:$0x1E800] =	vst v63  }
0x26: {  	_ =	swait.ge [sflag:s20], $0x4000  }
0x27: {  	[sflag:s20] =	ssyncset.done $0x0  }
0x28: {  	[sflag:s20] =	ssyncadd.s32 $0xFFFFC000  }
0x29: {  	[spmem:s1] =	stream.indirect.scatter.add.f32 [tilespmem:s18], [sflag:$0x4], $0x80, s21, s16, $0xb8;
	[tilespmem:$0x1E800] =	vst v63  }
0x2a: {  	_ =	swait.ge [sflag:s22], $0x4000  }
0x2b: {  	[sflag:s22] =	ssyncset.done $0x0  }
0x2c: {  	[sflag:s22] =	ssyncadd.s32 $0xFFFFC000  }
0x2d: {  	_ =	swait.ge [sflag:s23], $0x4000  }
0x2e: {  	[sflag:s23] =	ssyncset.done $0x0  }
0x2f: {  	s25 =	simm.s32 $0x100;
	[sflag:s23] =	ssyncadd.s32 $0xFFFFC000  }
0x30: {  	[tilespmem:s17], [sflag:$0x1] =	stream.indirect.gather [hbm4b:s4+s16], $0x80, s25, s16, $0xb8;
	[tilespmem:$0x1E800] =	vst v63  }
0x31: {  	s30 =	simm.s32 $0x180  }
0x32: {  	[tilespmem:s18], [sflag:$0x2] =	stream.indirect.gather [hbm4b:s4+s16], $0x80, s30, s16, $0xb8;
	[tilespmem:$0x1E800] =	vst v63  }
0x33: {  	_ =	swait.ge [sflag:s19], $0x4000  }
0x34: {  	[sflag:s19] =	ssyncset.done $0x0  }
0x35: {  	s31 =	simm.s32 $0x1500;
	[sflag:s19] =	ssyncadd.s32 $0xFFFFC000  }
0x36: {  	[spmem:s1] =	stream.indirect.scatter.add.f32 [tilespmem:s17], [sflag:$0x3], $0x80, s31, s16, $0xb8;
	[tilespmem:$0x1E800] =	vst v63  }
0x37: {  	_ =	swait.ge [sflag:s20], $0x4000  }
0x38: {  	[sflag:s20] =	ssyncset.done $0x0  }
0x39: {  	s26 =	simm.s32 $0x1580;
	s25 =	simm.s32 $0xFFFFB800;
	[sflag:s20] =	ssyncadd.s32 $0xFFFFC000  }
.LBB2_2:
0x3a: {  	[spmem:s1] =	stream.indirect.scatter.add.f32 [tilespmem:s18], [sflag:$0x4], $0x80, s26, s16, $0xb8;
	[tilespmem:$0x1E800] =	vst v63  }
0x3b: {  	s26 =	smov.u32 s25  }
0x3c: {  	p0 =	sne.s32 s25, $0xFFFFFC00;
	s25 =	sadd.s32 $0x400, s25;
	_ =	swait.ge [sflag:s22], $0x4000  }
0x3d: {  	[sflag:s22] =	ssyncset.done $0x0  }
0x3e: {  	[sflag:s22] =	ssyncadd.s32 $0xFFFFC000  }
0x3f: {  	_ =	swait.ge [sflag:s23], $0x4000  }
0x40: {  	s26 =	sshra.s32 s26, $0x2;
	[sflag:s23] =	ssyncset.done $0x0  }
0x41: {  	s28 =	sadd.s32 $0x1400, s26;
	[sflag:s23] =	ssyncadd.s32 $0xFFFFC000  }
0x42: {  	[tilespmem:s17], [sflag:$0x1] =	stream.indirect.gather [hbm4b:s4+s16], $0x80, s28, s16, $0xb8;
	[tilespmem:$0x1E800] =	vst v63  }
0x43: {  	s28 =	sadd.s32 $0x1480, s26  }
0x44: {  	[tilespmem:s18], [sflag:$0x2] =	stream.indirect.gather [hbm4b:s4+s16], $0x80, s28, s16, $0xb8;
	[tilespmem:$0x1E800] =	vst v63  }
0x45: {  	_ =	swait.ge [sflag:s19], $0x4000  }
0x46: {  	[sflag:s19] =	ssyncset.done $0x0  }
.Ltmp0:
0x47: {  	s28 =	sadd.s32 $0x2800, s26;
	[sflag:s19] =	ssyncadd.s32 $0xFFFFC000;
	(pc) =	sbr.rel @p0 .LBB2_2-.Ltmp0, $4  }
0x48: {  	[spmem:s1] =	stream.indirect.scatter.add.f32 [tilespmem:s17], [sflag:$0x3], $0x80, s28, s16, $0xb8;
	[tilespmem:$0x1E800] =	vst v63  }
0x49: {  	_ =	swait.ge [sflag:s20], $0x4000  }
0x4a: {  	[sflag:s20] =	ssyncset.done $0x0  }
0x4b: {  	s26 =	sadd.s32 $0x2880, s26;
	[sflag:s20] =	ssyncadd.s32 $0xFFFFC000  }
0x4c: {  	[spmem:s1] =	stream.indirect.scatter.add.f32 [tilespmem:s18], [sflag:$0x4], $0x80, s26, s16, $0xb8;
	[tilespmem:$0x1E800] =	vst v63  }
0x4d: {  	_ =	swait.ge [sflag:s22], $0x4000  }
0x4e: {  	[sflag:s22] =	ssyncset.done $0x0  }
0x4f: {  	[sflag:s22] =	ssyncadd.s32 $0xFFFFC000  }
0x50: {  	_ =	swait.ge [sflag:s23], $0x4000  }
0x51: {  	[sflag:s23] =	ssyncset.done $0x0  }
0x52: {  	[sflag:s23] =	ssyncadd.s32 $0xFFFFC000  }
0x53: {  	[tilespmem:s2], [sflag:$0x5] =	stream.linear.gather [hbm4b:s9+s2], $0x1400, $0x38;
	[tilespmem:$0x1E800] =	vst v63  }
0x54: {  	_ =	swait.ge [sflag:s14], $0x1400  }
0x55: {  	[sflag:s14] =	ssyncset.done $0x0  }
0x56: {  	[sflag:s14] =	ssyncadd.s32 $0xFFFFEC00  }
0x57: {  	[tilespmem:s15], [sflag:$0x5] =	stream.linear.gather [hbm4b:s10+s2], $0x1400, $0x38;
	[tilespmem:$0x1E800] =	vst v63  }
0x58: {  	_ =	swait.ge [sflag:s14], $0x1400  }
0x59: {  	[sflag:s14] =	ssyncset.done $0x0  }
0x5a: {  	[sflag:s14] =	ssyncadd.s32 $0xFFFFEC00  }
0x5b: {  	[tilespmem:s17], [sflag:$0x1] =	stream.indirect.gather [hbm4b:s4+s16], $0x80, s2, s16, $0xb8;
	[tilespmem:$0x1E800] =	vst v63  }
0x5c: {  	_ = 	snop  }
0x5d: {  	[tilespmem:s18], [sflag:$0x2] =	stream.indirect.gather [hbm4b:s4+s16], $0x80, s16, s16, $0xb8;
	[tilespmem:$0x1E800] =	vst v63  }
0x5e: {  	_ =	swait.ge [sflag:s19], $0x4000  }
0x5f: {  	[sflag:s19] =	ssyncset.done $0x0  }
0x60: {  	[sflag:s19] =	ssyncadd.s32 $0xFFFFC000  }
0x61: {  	[spmem:s1] =	stream.indirect.scatter.add.f32 [tilespmem:s17], [sflag:$0x3], $0x80, s15, s16, $0xb8;
	[tilespmem:$0x1E800] =	vst v63  }
0x62: {  	_ =	swait.ge [sflag:s20], $0x4000  }
0x63: {  	[sflag:s20] =	ssyncset.done $0x0  }
0x64: {  	[sflag:s20] =	ssyncadd.s32 $0xFFFFC000  }
0x65: {  	[spmem:s1] =	stream.indirect.scatter.add.f32 [tilespmem:s18], [sflag:$0x4], $0x80, s21, s16, $0xb8;
	[tilespmem:$0x1E800] =	vst v63  }
0x66: {  	_ =	swait.ge [sflag:s22], $0x4000  }
0x67: {  	[sflag:s22] =	ssyncset.done $0x0  }
0x68: {  	[sflag:s22] =	ssyncadd.s32 $0xFFFFC000  }
0x69: {  	_ =	swait.ge [sflag:s23], $0x4000  }
0x6a: {  	[sflag:s23] =	ssyncset.done $0x0  }
0x6b: {  	s25 =	simm.s32 $0x100;
	[sflag:s23] =	ssyncadd.s32 $0xFFFFC000  }
0x6c: {  	[tilespmem:s17], [sflag:$0x1] =	stream.indirect.gather [hbm4b:s4+s16], $0x80, s25, s16, $0xb8;
	[tilespmem:$0x1E800] =	vst v63  }
0x6d: {  	s30 =	simm.s32 $0x180  }
0x6e: {  	[tilespmem:s18], [sflag:$0x2] =	stream.indirect.gather [hbm4b:s4+s16], $0x80, s30, s16, $0xb8;
	[tilespmem:$0x1E800] =	vst v63  }
0x6f: {  	_ =	swait.ge [sflag:s19], $0x4000  }
0x70: {  	[sflag:s19] =	ssyncset.done $0x0  }
0x71: {  	s31 =	simm.s32 $0x1500;
	[sflag:s19] =	ssyncadd.s32 $0xFFFFC000  }
0x72: {  	[spmem:s1] =	stream.indirect.scatter.add.f32 [tilespmem:s17], [sflag:$0x3], $0x80, s31, s16, $0xb8;
	[tilespmem:$0x1E800] =	vst v63  }
0x73: {  	_ =	swait.ge [sflag:s20], $0x4000  }
0x74: {  	[sflag:s20] =	ssyncset.done $0x0  }
0x75: {  	s26 =	simm.s32 $0x1580;
	s25 =	simm.s32 $0xFFFFB800;
	[sflag:s20] =	ssyncadd.s32 $0xFFFFC000  }
.LBB2_4:
0x76: {  	[spmem:s1] =	stream.indirect.scatter.add.f32 [tilespmem:s18], [sflag:$0x4], $0x80, s26, s16, $0xb8;
	[tilespmem:$0x1E800] =	vst v63  }
0x77: {  	s26 =	smov.u32 s25  }
0x78: {  	p0 =	sne.s32 s25, $0xFFFFFC00;
	s25 =	sadd.s32 $0x400, s25;
	_ =	swait.ge [sflag:s22], $0x4000  }
0x79: {  	[sflag:s22] =	ssyncset.done $0x0  }
0x7a: {  	[sflag:s22] =	ssyncadd.s32 $0xFFFFC000  }
0x7b: {  	_ =	swait.ge [sflag:s23], $0x4000  }
0x7c: {  	s26 =	sshra.s32 s26, $0x2;
	[sflag:s23] =	ssyncset.done $0x0  }
0x7d: {  	s28 =	sadd.s32 $0x1400, s26;
	[sflag:s23] =	ssyncadd.s32 $0xFFFFC000  }
0x7e: {  	[tilespmem:s17], [sflag:$0x1] =	stream.indirect.gather [hbm4b:s4+s16], $0x80, s28, s16, $0xb8;
	[tilespmem:$0x1E800] =	vst v63  }
0x7f: {  	s28 =	sadd.s32 $0x1480, s26  }
0x80: {  	[tilespmem:s18], [sflag:$0x2] =	stream.indirect.gather [hbm4b:s4+s16], $0x80, s28, s16, $0xb8;
	[tilespmem:$0x1E800] =	vst v63  }
0x81: {  	_ =	swait.ge [sflag:s19], $0x4000  }
0x82: {  	[sflag:s19] =	ssyncset.done $0x0  }
.Ltmp1:
0x83: {  	s28 =	sadd.s32 $0x2800, s26;
	[sflag:s19] =	ssyncadd.s32 $0xFFFFC000;
	(pc) =	sbr.rel @p0 .LBB2_4-.Ltmp1, $4  }
0x84: {  	[spmem:s1] =	stream.indirect.scatter.add.f32 [tilespmem:s17], [sflag:$0x3], $0x80, s28, s16, $0xb8;
	[tilespmem:$0x1E800] =	vst v63  }
0x85: {  	_ =	swait.ge [sflag:s20], $0x4000  }
0x86: {  	[sflag:s20] =	ssyncset.done $0x0  }
0x87: {  	s26 =	sadd.s32 $0x2880, s26;
	[sflag:s20] =	ssyncadd.s32 $0xFFFFC000  }
0x88: {  	[spmem:s1] =	stream.indirect.scatter.add.f32 [tilespmem:s18], [sflag:$0x4], $0x80, s26, s16, $0xb8;
	[tilespmem:$0x1E800] =	vst v63  }
0x89: {  	_ =	swait.ge [sflag:s22], $0x4000  }
0x8a: {  	[sflag:s22] =	ssyncset.done $0x0  }
0x8b: {  	[sflag:s22] =	ssyncadd.s32 $0xFFFFC000  }
0x8c: {  	_ =	swait.ge [sflag:s23], $0x4000  }
0x8d: {  	s24 =	sadd.s32 $0x1, s24;
	[sflag:s23] =	ssyncset.done $0x0  }
0x8e: {  	p0 =	sne.s32 s24, s12;
	[sflag:s23] =	ssyncadd.s32 $0xFFFFC000  }
.Ltmp2:
0x8f: {  	[bflag:$0x0] =	sbarrier.arrive $0xFFFF;
	(pc) =	sbr.rel @p0 .LBB2_1-.Ltmp2, $4  }
0x90: {  	[hbm:s11], [sflag:s6] =	dma.local [spmem:s13], $0x2800  }
0x91: {  	_ =	swait.ge [sflag:s14], $0x2800  }
0x92: {  	[sflag:s14] =	ssyncset.done $0x0  }
0x93: {  	[sflag:s14] =	ssyncadd.s32 $0xFFFFD800  }
0x94: {  	_ =	sfence.sel $0x180000  }
0x95: {  	[bflag:$0x0] =	sbarrier.arrive $0xFFFF  }
0x96: {  	p0 =	sne.s32 s3, $0x0;
	_ =	strace $0x9000004A  }
0x97: {  	s0 =	sadd.s32 @!p0 $0x100000, s0;
	[bflag:$0x2] =	sbarrier.arrive $0xFFFF  }
0x98: {  	[sflag:s0] =	ssyncadd.tile.s32 @!p0 $0x1;
	_ =	shalt  }
.Lfunc_end2:
_tile_overlayer_lowered:
.L_overlay_start_2:
0x99: {  	(tag) =	ssettag $0x2  }
0x9a: {  	s0 =	rddreg [dreg:$0x0];
	s2 =	stileid.u32  }
0x9b: {  	s1 =	rddreg [dreg:$0x1];
	p0 =	sne.s32 s2, $0x0  }
0x9c: {  	s3 =	rddreg [dreg:$0x2];
	[bflag:$0x3] =	sbarrier.arrive $0xFFFF;
	s2 =	simm.s32 @!p0 $0x1C05  }
0x9d: {  	[timem:s3], [sflag:s2] =	dma.local @!p0 [hbm:s0], s1  }
0x9e: {  	s0 =	simm.s32 @!p0 $0x5  }
0x9f: {  	_ =	swait.ge @!p0 [sflag:s0], s1  }
0xa0: {  	s1 =	ssub.s32 @!p0 $0x0, s1;
	[sflag:s0] =	ssyncset.done @!p0 $0x0  }
0xa1: {  	[sflag:s0] =	ssyncadd.s32 @!p0 s1  }
0xa2: {  	[bflag:$0x3] =	sbarrier.arrive $0xFFFF  }
0xa3: {  	_ =	shalt  }

// kernel: kernel.14.cloned.1.call-start
scs
__scs_entry_jumppad:
0x0: {  	(pc) =	sbr.rel $0x88, $3  }
0x1: {  	(tag) =	ssettag $0x0;
	lr =	simm.s32 $0x1  }
0x2: {  	[smem:$0x3F9B] =	sst lr;
	_ =	strace $0xD0000000  }
0x3: {  	_ = 	snop  }
0x4: {  	_ = 	snop  }
0x5: {  	_ = 	snop  }
0x6: {  	_ = 	snop  }
0x7: {  	_ = 	snop  }
__scs_overlays_trampoline_lowered:
0x8: {  	[smem:$0x3FAA] =	sst s0  }
0x9: {  	[smem:$0x3FAB] =	sst s1  }
0xa: {  	[smem:$0x3FAC] =	sst s2  }
0xb: {  	[smem:$0x3FAD] =	sst s3  }
0xc: {  	[smem:$0x3FAE] =	sst s4  }
0xd: {  	[smem:$0x3FAF] =	sst s5  }
0xe: {  	[smem:$0x3FB0] =	sst s6  }
0xf: {  	[smem:$0x3FB1] =	sst s7  }
0x10: {  	[smem:$0x3FB2] =	sst s8  }
0x11: {  	[smem:$0x3FB3] =	sst s9;
	s0 =	simm.s32 @!p0 $0x0  }
0x12: {  	s1 =	sld [smem:$0x3F99];
	s0 =	simm.s32 @p0 $0x1  }
0x13: {  	[smem:$0x3FB4] =	sst s0;
	s0 =	simm.s32 @!p1 $0x0  }
0x14: {  	s2 =	sld [smem:$0x3F98];
	s0 =	simm.s32 @p1 $0x1  }
0x15: {  	[smem:$0x3FB5] =	sst s0;
	s0 =	simm.s32 @!p2 $0x0  }
0x16: {  	s3 =	sld [smem:$0x3FDB];
	s0 =	simm.s32 @p2 $0x1  }
0x17: {  	s4 =	simm.s32 $0x1BF5;
	[smem:$0x3FB7] =	sst s0  }
0x18: {  	s0 =	sld [smem:$0x3F9A];
	_ =	swait.ge [sflag:s4], $0x0  }
0x19: {  	s7 =	sld [smem:$0x3F9B]  }
0x1a: {  	s8 =	sadd.s32 $0xFFFFE003, lr  }
0x1b: {  	s9 =	sadd.s32 $0xFFFFFEF7, lr;
	s5 =	simm.s32 $0xFFFFFFFF;
	p2 =	slt.u32 s8, $0xFFFFF086  }
0x1c: {  	p1 =	slt.u32 s9, $0xF7A;
	s5 =	simm.s32 @!p2 $0x0  }
0x1d: {  	s5 =	simm.s32 @p1 $0x1;
	p0 =	seq.s32 s7, s2  }
0x1e: {  	s7 =	smul.u32 @!p0 $0xF7A, s2;
	p2 =	seq.s32 @!p0 s5, $0x0  }
0x1f: {  	s9 =	smul.u32 $0xF7A, s1;
	s8 =	simm.s32 @!p0 $0x1BF5;
	p2 =	por !p2, p0  }
0x20: {  	[sflag:s8] =	ssyncset.s32 @!p0 $0xFFFFF086;
	s6 =	sadd.s32 @!p0 s3, s7;
	s7 =	simm.s32 @!p0 $0x108  }
0x21: {  	s3 =	sadd.s32 s3, s9;
	s6 =	sadd.s32 @!p0 $0x88, s6;
	s7 =	simm.s32 @p2 $0x1082  }
0x22: {  	[simem:s7], [sflag:s8] =	dma.local @!p0 [hbm:s6], $0xF7A  }
0x23: {  	s9 =	sor.u32 $0xD0000000, s2;
	s6 =	simm.s32 $0x108;
	_ =	swait.ge @!p0 [sflag:s8], $0x0  }
0x24: {  	s3 =	sadd.s32 $0x88, s3;
	s6 =	simm.s32 @!p1 $0x1082;
	[sflag:s4] =	ssyncset.s32 $0xFFFFF086  }
0x25: {  	[simem:s6], [sflag:s4] =	dma.local [hbm:s3], $0xF7A  }
0x26: {  	[smem:$0x3F9B] =	sst s1;
	(tag) =	ssettag s2;
	_ =	strace s9  }
0x27: {  	s1 =	sld [smem:$0x3FAB]  }
0x28: {  	s2 =	sld [smem:$0x3FAC]  }
0x29: {  	s4 =	sld [smem:$0x3FAE]  }
0x2a: {  	p0 =	seq.s32 s5, $0x0;
	s5 =	sld [smem:$0x3FAF]  }
0x2b: {  	s6 =	sld [smem:$0x3FB0]  }
0x2c: {  	s7 =	sld [smem:$0x3FB1]  }
0x2d: {  	s3 =	simm.s32 $0x108;
	s8 =	sld [smem:$0x3FB2]  }
0x2e: {  	s3 =	simm.s32 @!p0 $0x1082;
	s9 =	sld [smem:$0x3FB3]  }
0x2f: {  	lr =	sadd.s32 s0, s3;
	s0 =	sld [smem:$0x3FAA]  }
0x30: {  	s3 =	sld [smem:$0x3FAD]  }
0x31: {  	[smem:$0x3FB6] =	sst s10  }
0x32: {  	s10 =	sld [smem:$0x3FB4];
	_ =	sdelay $0x3  }
0x33: {  	p0 =	seq.s32 s10, $0x1;
	s10 =	sld [smem:$0x3FB6];
	_ =	sdelay $0x3  }
0x34: {  	[smem:$0x3FB6] =	sst s10  }
0x35: {  	s10 =	sld [smem:$0x3FB5];
	_ =	sdelay $0x3  }
0x36: {  	p1 =	seq.s32 s10, $0x1;
	s10 =	sld [smem:$0x3FB6];
	_ =	sdelay $0x3  }
0x37: {  	[smem:$0x3FB6] =	sst s10  }
0x38: {  	s10 =	sld [smem:$0x3FB7]  }
0x39: {  	_ = 	snop;
	(pc) =	sbr.ind lr, $3  }
0x3a: {  	_ = 	snop  }
0x3b: {  	_ = 	snop  }
0x3c: {  	p2 =	seq.s32 s10, $0x1;
	s10 =	sld [smem:$0x3FB6]  }
0x3d: {  	_ =	shalt  }
0x3e: {  	_ =	shalt  }
0x3f: {  	_ =	shalt  }
0x40: {  	_ =	shalt  }
0x41: {  	_ =	shalt  }
0x42: {  	_ =	shalt  }
0x43: {  	_ =	shalt  }
0x44: {  	_ =	shalt  }
0x45: {  	_ =	shalt  }
0x46: {  	_ =	shalt  }
0x47: {  	_ =	shalt  }
0x48: {  	_ =	shalt  }
0x49: {  	_ =	shalt  }
0x4a: {  	_ =	shalt  }
0x4b: {  	_ =	shalt  }
0x4c: {  	_ =	shalt  }
0x4d: {  	_ =	shalt  }
0x4e: {  	_ =	shalt  }
0x4f: {  	_ =	shalt  }
0x50: {  	_ =	shalt  }
0x51: {  	_ =	shalt  }
0x52: {  	_ =	shalt  }
0x53: {  	_ =	shalt  }
0x54: {  	_ =	shalt  }
0x55: {  	_ =	shalt  }
0x56: {  	_ =	shalt  }
0x57: {  	_ =	shalt  }
0x58: {  	_ =	shalt  }
0x59: {  	_ =	shalt  }
0x5a: {  	_ =	shalt  }
0x5b: {  	_ =	shalt  }
0x5c: {  	_ =	shalt  }
0x5d: {  	_ =	shalt  }
0x5e: {  	_ =	shalt  }
0x5f: {  	_ =	shalt  }
0x60: {  	_ =	shalt  }
0x61: {  	_ =	shalt  }
0x62: {  	_ =	shalt  }
0x63: {  	_ =	shalt  }
0x64: {  	_ =	shalt  }
0x65: {  	_ =	shalt  }
0x66: {  	_ =	shalt  }
0x67: {  	_ =	shalt  }
0x68: {  	_ =	shalt  }
0x69: {  	_ =	shalt  }
0x6a: {  	_ =	shalt  }
0x6b: {  	_ =	shalt  }
0x6c: {  	_ =	shalt  }
0x6d: {  	_ =	shalt  }
0x6e: {  	_ =	shalt  }
0x6f: {  	_ =	shalt  }
0x70: {  	_ =	shalt  }
0x71: {  	_ =	shalt  }
0x72: {  	_ =	shalt  }
0x73: {  	_ =	shalt  }
0x74: {  	_ =	shalt  }
0x75: {  	_ =	shalt  }
0x76: {  	_ =	shalt  }
0x77: {  	_ =	shalt  }
0x78: {  	_ =	shalt  }
0x79: {  	_ =	shalt  }
0x7a: {  	_ =	shalt  }
0x7b: {  	_ =	shalt  }
0x7c: {  	_ =	shalt  }
0x7d: {  	_ =	shalt  }
0x7e: {  	_ =	shalt  }
0x7f: {  	_ =	shalt  }
0x80: {  	_ =	shalt  }
0x81: {  	_ =	shalt  }
0x82: {  	_ =	shalt  }
0x83: {  	_ =	shalt  }
0x84: {  	_ =	shalt  }
0x85: {  	_ =	shalt  }
0x86: {  	_ =	shalt  }
0x87: {  	_ =	shalt  }
.Lfunc_end0:
.L_simem_size_0:
called_computation.2_lowered:
.L_overlay_start_0:
0x88: {  	s2 =	sld [smem:$0x3FD9]  }
0x89: {  	s3 =	sld [smem:$0x3FFE];
	_ =	sdelay $0x1  }
0x8a: {  	s1 =	srdreg.scid  }
0x8b: {  	s0 =	sand.u32 $0x1, s1  }
0x8c: {  	s17 =	sshll.u32 s0, $0xA;
	s2 =	sadd.s32 s3, s2  }
0x8d: {  	s2 =	sadd.s32 s2, s17  }
0x8e: {  	[smem:$0x3FC2] =	sst s2  }
0x8f: {  	_ = 	snop  }
0x90: {  	s2 =	sld [smem:$0x3FD0];
	(tm) =	ssettm $0x1  }
0x91: {  	s18 =	sld [smem:$0x3FFB];
	_ =	sdelay $0x3  }
0x92: {  	_ =	strace s18  }
0x93: {  	s3 =	sld [smem:$0x3FFC];
	_ =	sdelay $0x3  }
0x94: {  	_ =	strace s3  }
0x95: {  	s3 =	sld [smem:$0x3FFD];
	_ =	sdelay $0x3  }
0x96: {  	_ =	strace s3  }
0x97: {  	_ =	strace $0x8FFFFFFF  }
0x98: {  	s19 =	sld [smem:$0x3FDB];
	_ =	sdelay $0x1  }
0x99: {  	s4 =	simm.s32 $_scs_section_size  }
0x9a: {  	s5 =	simm.s32 $_size__tile_overlayer_lowered;
	s6 =	simm.s32 $_tile_overlayer_lowered  }
0x9b: {  	s22 =	simm.s32 $0x1BFF;
	s21 =	sshll.u32 s6, $0x1;
	s3 =	sadd.s32 s4, s19  }
0x9c: {  	s7 =	simm.s32 $0x0;
	s20 =	sshll.u32 s5, $0x1;
	s5 =	sadd.s32 s21, s3  }
0x9d: {  	[timem:s7], [sflag:s22] =	dma.local [hbm:s5], s20  }
0x9e: {  	_ =	swait.ge [sflag:s22], s20  }
0x9f: {  	s4 =	ssub.s32 $0x0, s20;
	[sflag:s22] =	ssyncset.done $0x0  }
0xa0: {  	[sflag:s22] =	ssyncadd.s32 s4;
	_ =	sdelay $0x1  }
0xa1: {  	s23 =	simm.s32 $0x1B8B  }
0xa2: {  	_ =	swait.ge [sflag:s23], $0x1  }
0xa3: {  	[sflag:s23] =	ssyncset.done $0x0  }
0xa4: {  	s25 =	simm.s32 $0x1B8E;
	s24 =	sld [smem:$0x3FFE];
	[sflag:s23] =	ssyncadd.s32 $0xFFFFFFFF  }
0xa5: {  	s26 =	simm.s32 $execute0_lowered;
	[smem:$0x3FD2] =	sst s25  }
0xa6: {  	s5 =	sshll.u32 s26, $0x1;
	_ =	strace $0x8000004C;
	[dreg:$0x1] =	wrdreg $0xFFFFFFFF  }
0xa7: {  	s28 =	simm.s32 $_size_execute0_lowered;
	s3 =	sadd.s32 s3, s5;
	[dreg:$0x0] =	wrdreg $0x0  }
0xa8: {  	s5 =	sshll.u32 s28, $0x1;
	[dreg:$0x2] =	wrdreg s3  }
0xa9: {  	[dreg:$0x3] =	wrdreg s5  }
0xaa: {  	[dreg:$0x4] =	wrdreg $0xC0  }
0xab: {  	_ =	task [dreg:s7], $0x5FFFF  }
0xac: {  	[dreg:$0x1] =	wrdreg $0xFFFFFFFF  }
0xad: {  	[dreg:$0x0] =	wrdreg $0x60  }
0xae: {  	[dreg:$0x2] =	wrdreg s24  }
0xaf: {  	[dreg:$0x3] =	wrdreg s2  }
0xb0: {  	[dreg:$0x4] =	wrdreg $0xB8000  }
0xb1: {  	[dreg:$0x5] =	wrdreg $0x9  }
0xb2: {  	_ =	task.clear_ibuf [dreg:s7], $0x6FFFF;
	_ =	strace $0x9000004C  }
0xb3: {  	s29 =	simm.s32 $0x9;
	_ =	strace $0x8000004E  }
0xb4: {  	_ =	swait.ge [sflag:s29], $0x1  }
0xb5: {  	[sflag:s29] =	ssyncadd.s32 $0xFFFFFFFF  }
0xb6: {  	_ =	strace $0x9000004E  }
0xb7: {  	_ =	sfence  }
0xb8: {  	s30 =	sld [smem:$0x0];
	_ =	sdelay $0x2  }
0xb9: {  	s31 =	sshll.u32 s1, $0xD;
	s1 =	sshrl.u32 s1, $0x2  }
0xba: {  	s3 =	sand.u32 $0x4000, s31;
	s1 =	sadd.s32 s1, s30  }
0xbb: {  	s0 =	sor.u32 s3, s0;
	s1 =	sshll.u32 s1, $0x11  }
0xbc: {  	s0 =	sor.u32 s1, s0  }
0xbd: {  	s0 =	sadd.s32 $0x8F2B, s0  }
0xbe: {  	[sflag:s0] =	ssyncadd.remote.s32 $0x1  }
0xbf: {  	_ =	sfence.sel $0xFFFF  }
0xc0: {  	[dreg:$0x0] =	wrdreg $0xFFFFFFFF;
	(pc) =	sbr.abs _section_cstart, $3  }
0xc1: {  	[dreg:$0x1] =	wrdreg $0xFFFFFFFF  }
0xc2: {  	_ =	task.clear_ibuf [dreg:s7], $0x2FFFF;
	_ =	strace $0x9FFFFFFF  }
0xc3: {  	(tm) =	ssettm $0x7FFFFFFF  }
tec
execute0_lowered:
.L_overlay_start_1:
0x0: {  	(tag) =	ssettag $0x1  }
0x1: {  	s5 =	rddreg [dreg:$0x0]  }
0x2: {  	s7 =	rddreg [dreg:$0x1]  }
0x3: {  	s2 =	rddreg [dreg:$0x2]  }
0x4: {  	s0 =	rddreg [dreg:$0x3]  }
0x5: {  	s1 =	stileid.u32;
	s3 =	simm.s32 $0x0;
	s4 =	srdreg.scid  }
0x6: {  	s16 =	simm.s32 $0x3800;
	s17 =	simm.s32 $0x7800;
	s18 =	simm.s32 $0x1  }
0x7: {  	s19 =	simm.s32 $0x2;
	s20 =	simm.s32 $0x1C80;
	s6 =	smul.u32 $0x38, s1  }
0x8: {  	s21 =	simm.s32 $0x3;
	s8 =	sand.u32 $0x1, s4;
	s4 =	smul.u32 $0x18, s1  }
0x9: {  	s22 =	simm.s32 $0x4;
	s23 =	simm.s32 $0x0;
	s9 =	smul.u32 $0x2800, s1  }
0xa: {  	[smem:$0x7FF] =	sst s3;
	s28 =	smul.u32 $0x50000, s1;
	s31 =	sshll.u32 s1, $0x6  }
0xb: {  	p0 =	seq.s32 s8, $0x0;
	s10 =	smul.u32 $0x28000, s8;
	s8 =	ssub.s32 $0x2, s8  }
0xc: {  	_ =	strace $0x8000004D;
	s6 =	sadd.s32 $0x180, s6;
	s29 =	sshrl.u32 s8, $0x1  }
0xd: {  	s30 =	sshrl.u32 s28, $0x2;
	s6 =	smov.u32 @p0 s4;
	s4 =	sadd.s32 $0x61A00, s5  }
0xe: {  	s26 =	sadd.s32 s9, s10;
	s14 =	ssub.s32 s8, s29;
	s15 =	sadd.s32 s30, s2  }
0xf: {  	s11 =	sshll.u32 s6, $0x4;
	s13 =	sadd.s32 s26, s5;
	s6 =	sor.u32 $0x1C05, s31  }
0x10: {  	s12 =	sadd.s32 s11, s5;
	s5 =	sadd.s32 s4, s9;
	s7 =	sadd.s32 s7, s11  }
0x11: {  	s9 =	simm.s32 $0xB;
	s10 =	sadd.s32 $0x89A00, s13;
	s11 =	smax.u32 s14, $0x1  }
0x12: {  	s13 =	simm.s32 $0x5;
	s14 =	simm.s32 $0x1C00;
	s8 =	sadd.s32 $0xB800, s12  }
0x13: {  	s9 =	simm.s32 @!p0 $0x1B;
	s12 =	sshrl.u32 s15, $0x3;
	s15 =	simm.s32 $0x80  }
.LBB2_1:
0x14: {  	[spmem:s12], [sflag:s6] =	dma.local [hbm:s5], $0x2800  }
0x15: {  	_ =	swait.ge [sflag:s13], $0x2800  }
0x16: {  	[sflag:s13] =	ssyncset.done $0x0  }
0x17: {  	[sflag:s13] =	ssyncadd.s32 $0xFFFFD800  }
0x18: {  	[bflag:$0x0] =	sbarrier.arrive $0xFFFF  }
0x19: {  	[tilespmem:s3], [sflag:$0x5] =	stream.linear.gather [hbm4b:s7+s3], $0x1C00, $0x38;
	[tilespmem:$0x1F800] =	vst v63  }
0x1a: {  	_ =	swait.ge [sflag:s13], $0x1C00  }
0x1b: {  	[sflag:s13] =	ssyncset.done $0x0  }
0x1c: {  	[sflag:s13] =	ssyncadd.s32 $0xFFFFE400  }
0x1d: {  	[tilespmem:s14], [sflag:$0x5] =	stream.linear.gather [hbm4b:s8+s3], $0x1C00, $0x38;
	[tilespmem:$0x1F800] =	vst v63  }
0x1e: {  	_ =	swait.ge [sflag:s13], $0x1C00  }
0x1f: {  	[sflag:s13] =	ssyncset.done $0x0  }
0x20: {  	[sflag:s13] =	ssyncadd.s32 $0xFFFFE400  }
0x21: {  	[tilespmem:s16], [sflag:$0x1] =	stream.indirect.gather [hbm4b:s4+s15], $0x80, s3, s15, $0xb8;
	[tilespmem:$0x1F800] =	vst v63  }
0x22: {  	_ = 	snop  }
0x23: {  	[tilespmem:s17], [sflag:$0x2] =	stream.indirect.gather [hbm4b:s4+s15], $0x80, s15, s15, $0xb8;
	[tilespmem:$0x1F800] =	vst v63  }
0x24: {  	_ =	swait.ge [sflag:s18], $0x4000  }
0x25: {  	[sflag:s18] =	ssyncset.done $0x0  }
0x26: {  	[sflag:s18] =	ssyncadd.s32 $0xFFFFC000  }
0x27: {  	[spmem:s2] =	stream.indirect.scatter.add.f32 [tilespmem:s16], [sflag:$0x3], $0x80, s14, s15, $0xb8;
	[tilespmem:$0x1F800] =	vst v63  }
0x28: {  	_ =	swait.ge [sflag:s19], $0x4000  }
0x29: {  	[sflag:s19] =	ssyncset.done $0x0  }
0x2a: {  	[sflag:s19] =	ssyncadd.s32 $0xFFFFC000  }
0x2b: {  	[spmem:s2] =	stream.indirect.scatter.add.f32 [tilespmem:s17], [sflag:$0x4], $0x80, s20, s15, $0xb8;
	[tilespmem:$0x1F800] =	vst v63  }
0x2c: {  	_ =	swait.ge [sflag:s21], $0x4000  }
0x2d: {  	[sflag:s21] =	ssyncset.done $0x0  }
0x2e: {  	[sflag:s21] =	ssyncadd.s32 $0xFFFFC000  }
0x2f: {  	_ =	swait.ge [sflag:s22], $0x4000  }
0x30: {  	[sflag:s22] =	ssyncset.done $0x0  }
0x31: {  	s24 =	simm.s32 $0x100;
	[sflag:s22] =	ssyncadd.s32 $0xFFFFC000  }
0x32: {  	[tilespmem:s16], [sflag:$0x1] =	stream.indirect.gather [hbm4b:s4+s15], $0x80, s24, s15, $0xb8;
	[tilespmem:$0x1F800] =	vst v63  }
0x33: {  	s30 =	simm.s32 $0x180  }
0x34: {  	[tilespmem:s17], [sflag:$0x2] =	stream.indirect.gather [hbm4b:s4+s15], $0x80, s30, s15, $0xb8;
	[tilespmem:$0x1F800] =	vst v63  }
0x35: {  	_ =	swait.ge [sflag:s18], $0x4000  }
0x36: {  	p0 =	sne.s32 s9, $0x1;
	[sflag:s18] =	ssyncset.done $0x0  }
.Ltmp0:
0x37: {  	s31 =	simm.s32 $0x1D00;
	[sflag:s18] =	ssyncadd.s32 $0xFFFFC000;
	(pc) =	sbr.rel @!p0 .LBB2_3-.Ltmp0, $4  }
0x38: {  	[spmem:s2] =	stream.indirect.scatter.add.f32 [tilespmem:s16], [sflag:$0x3], $0x80, s31, s15, $0xb8;
	[tilespmem:$0x1F800] =	vst v63  }
0x39: {  	_ =	swait.ge [sflag:s19], $0x4000  }
0x3a: {  	s25 =	simm.s32 $0x1E00;
	s28 =	simm.s32 $0x1D80;
	[sflag:s19] =	ssyncset.done $0x0  }
0x3b: {  	s26 =	simm.s32 $0x200;
	s24 =	sadd.s32 $0xFFFFFFFF, s9;
	[sflag:s19] =	ssyncadd.s32 $0xFFFFC000  }
.LBB2_2:
0x3c: {  	[spmem:s2] =	stream.indirect.scatter.add.f32 [tilespmem:s17], [sflag:$0x4], $0x80, s28, s15, $0xb8;
	[tilespmem:$0x1F800] =	vst v63  }
0x3d: {  	p0 =	sne.s32 s24, $0x1;
	s24 =	sadd.s32 $0xFFFFFFFF, s24;
	_ =	swait.ge [sflag:s21], $0x4000  }
0x3e: {  	s28 =	smov.u32 s25;
	[sflag:s21] =	ssyncset.done $0x0  }
0x3f: {  	[sflag:s21] =	ssyncadd.s32 $0xFFFFC000  }
0x40: {  	_ =	swait.ge [sflag:s22], $0x4000  }
0x41: {  	[sflag:s22] =	ssyncset.done $0x0  }
0x42: {  	[sflag:s22] =	ssyncadd.s32 $0xFFFFC000  }
0x43: {  	[tilespmem:s16], [sflag:$0x1] =	stream.indirect.gather [hbm4b:s4+s15], $0x80, s26, s15, $0xb8;
	[tilespmem:$0x1F800] =	vst v63  }
0x44: {  	s29 =	sadd.s32 $0x80, s26  }
0x45: {  	[tilespmem:s17], [sflag:$0x2] =	stream.indirect.gather [hbm4b:s4+s15], $0x80, s29, s15, $0xb8;
	[tilespmem:$0x1F800] =	vst v63  }
0x46: {  	_ =	swait.ge [sflag:s18], $0x4000  }
0x47: {  	[sflag:s18] =	ssyncset.done $0x0  }
.Ltmp1:
0x48: {  	[sflag:s18] =	ssyncadd.s32 $0xFFFFC000;
	(pc) =	sbr.rel @p0 .LBB2_2-.Ltmp1, $4  }
0x49: {  	[spmem:s2] =	stream.indirect.scatter.add.f32 [tilespmem:s16], [sflag:$0x3], $0x80, s25, s15, $0xb8;
	[tilespmem:$0x1F800] =	vst v63  }
0x4a: {  	_ =	swait.ge [sflag:s19], $0x4000  }
0x4b: {  	s25 =	sadd.s32 $0x100, s25;
	[sflag:s19] =	ssyncset.done $0x0  }
0x4c: {  	s28 =	sadd.s32 $0x80, s28;
	s26 =	sadd.s32 $0x100, s26;
	[sflag:s19] =	ssyncadd.s32 $0xFFFFC000  }
.LBB2_3:
0x4d: {  	[spmem:s2] =	stream.indirect.scatter.add.f32 [tilespmem:s17], [sflag:$0x4], $0x80, s28, s15, $0xb8;
	[tilespmem:$0x1F800] =	vst v63  }
0x4e: {  	_ =	swait.ge [sflag:s21], $0x4000  }
0x4f: {  	[sflag:s21] =	ssyncset.done $0x0  }
0x50: {  	[sflag:s21] =	ssyncadd.s32 $0xFFFFC000  }
0x51: {  	_ =	swait.ge [sflag:s22], $0x4000  }
0x52: {  	s23 =	sadd.s32 $0x1, s23;
	[sflag:s22] =	ssyncset.done $0x0  }
0x53: {  	p0 =	sne.s32 s23, s11;
	[sflag:s22] =	ssyncadd.s32 $0xFFFFC000  }
.Ltmp2:
0x54: {  	[bflag:$0x0] =	sbarrier.arrive $0xFFFF;
	(pc) =	sbr.rel @p0 .LBB2_1-.Ltmp2, $4  }
0x55: {  	[hbm:s10], [sflag:s6] =	dma.local [spmem:s12], $0x2800  }
0x56: {  	_ =	swait.ge [sflag:s13], $0x2800  }
0x57: {  	[sflag:s13] =	ssyncset.done $0x0  }
0x58: {  	[sflag:s13] =	ssyncadd.s32 $0xFFFFD800  }
0x59: {  	_ =	sfence.sel $0x180000  }
0x5a: {  	[bflag:$0x0] =	sbarrier.arrive $0xFFFF  }
0x5b: {  	p0 =	sne.s32 s1, $0x0;
	_ =	strace $0x9000004D  }
0x5c: {  	s0 =	sadd.s32 @!p0 $0x100000, s0;
	[bflag:$0x2] =	sbarrier.arrive $0xFFFF  }
0x5d: {  	[sflag:s0] =	ssyncadd.tile.s32 @!p0 $0x1;
	_ =	shalt  }
.Lfunc_end2:
_tile_overlayer_lowered:
.L_overlay_start_2:
0x5e: {  	(tag) =	ssettag $0x2  }
0x5f: {  	s0 =	rddreg [dreg:$0x0];
	s2 =	stileid.u32  }
0x60: {  	s1 =	rddreg [dreg:$0x1];
	p0 =	sne.s32 s2, $0x0  }
0x61: {  	s3 =	rddreg [dreg:$0x2];
	[bflag:$0x3] =	sbarrier.arrive $0xFFFF;
	s2 =	simm.s32 @!p0 $0x1C05  }
0x62: {  	[timem:s3], [sflag:s2] =	dma.local @!p0 [hbm:s0], s1  }
0x63: {  	s0 =	simm.s32 @!p0 $0x5  }
0x64: {  	_ =	swait.ge @!p0 [sflag:s0], s1  }
0x65: {  	s1 =	ssub.s32 @!p0 $0x0, s1;
	[sflag:s0] =	ssyncset.done @!p0 $0x0  }
0x66: {  	[sflag:s0] =	ssyncadd.s32 @!p0 s1  }
0x67: {  	[bflag:$0x3] =	sbarrier.arrive $0xFFFF  }
0x68: {  	_ =	shalt  }

// kernel: kernel.8.cloned.1.call-start
scs
__scs_entry_jumppad:
0x0: {  	(pc) =	sbr.rel $0x88, $3  }
0x1: {  	(tag) =	ssettag $0x0;
	lr =	simm.s32 $0x1  }
0x2: {  	[smem:$0x3F9B] =	sst lr;
	_ =	strace $0xD0000000  }
0x3: {  	_ = 	snop  }
0x4: {  	_ = 	snop  }
0x5: {  	_ = 	snop  }
0x6: {  	_ = 	snop  }
0x7: {  	_ = 	snop  }
__scs_overlays_trampoline_lowered:
0x8: {  	[smem:$0x3FAA] =	sst s0  }
0x9: {  	[smem:$0x3FAB] =	sst s1  }
0xa: {  	[smem:$0x3FAC] =	sst s2  }
0xb: {  	[smem:$0x3FAD] =	sst s3  }
0xc: {  	[smem:$0x3FAE] =	sst s4  }
0xd: {  	[smem:$0x3FAF] =	sst s5  }
0xe: {  	[smem:$0x3FB0] =	sst s6  }
0xf: {  	[smem:$0x3FB1] =	sst s7  }
0x10: {  	[smem:$0x3FB2] =	sst s8  }
0x11: {  	[smem:$0x3FB3] =	sst s9;
	s0 =	simm.s32 @!p0 $0x0  }
0x12: {  	s1 =	sld [smem:$0x3F99];
	s0 =	simm.s32 @p0 $0x1  }
0x13: {  	[smem:$0x3FB4] =	sst s0;
	s0 =	simm.s32 @!p1 $0x0  }
0x14: {  	s2 =	sld [smem:$0x3F98];
	s0 =	simm.s32 @p1 $0x1  }
0x15: {  	[smem:$0x3FB5] =	sst s0;
	s0 =	simm.s32 @!p2 $0x0  }
0x16: {  	s3 =	sld [smem:$0x3FDB];
	s0 =	simm.s32 @p2 $0x1  }
0x17: {  	s4 =	simm.s32 $0x1BF5;
	[smem:$0x3FB7] =	sst s0  }
0x18: {  	s0 =	sld [smem:$0x3F9A];
	_ =	swait.ge [sflag:s4], $0x0  }
0x19: {  	s7 =	sld [smem:$0x3F9B]  }
0x1a: {  	s8 =	sadd.s32 $0xFFFFE003, lr  }
0x1b: {  	s9 =	sadd.s32 $0xFFFFFEF7, lr;
	s5 =	simm.s32 $0xFFFFFFFF;
	p2 =	slt.u32 s8, $0xFFFFF086  }
0x1c: {  	p1 =	slt.u32 s9, $0xF7A;
	s5 =	simm.s32 @!p2 $0x0  }
0x1d: {  	s5 =	simm.s32 @p1 $0x1;
	p0 =	seq.s32 s7, s2  }
0x1e: {  	s7 =	smul.u32 @!p0 $0xF7A, s2;
	p2 =	seq.s32 @!p0 s5, $0x0  }
0x1f: {  	s9 =	smul.u32 $0xF7A, s1;
	s8 =	simm.s32 @!p0 $0x1BF5;
	p2 =	por !p2, p0  }
0x20: {  	[sflag:s8] =	ssyncset.s32 @!p0 $0xFFFFF086;
	s6 =	sadd.s32 @!p0 s3, s7;
	s7 =	simm.s32 @!p0 $0x108  }
0x21: {  	s3 =	sadd.s32 s3, s9;
	s6 =	sadd.s32 @!p0 $0x88, s6;
	s7 =	simm.s32 @p2 $0x1082  }
0x22: {  	[simem:s7], [sflag:s8] =	dma.local @!p0 [hbm:s6], $0xF7A  }
0x23: {  	s9 =	sor.u32 $0xD0000000, s2;
	s6 =	simm.s32 $0x108;
	_ =	swait.ge @!p0 [sflag:s8], $0x0  }
0x24: {  	s3 =	sadd.s32 $0x88, s3;
	s6 =	simm.s32 @!p1 $0x1082;
	[sflag:s4] =	ssyncset.s32 $0xFFFFF086  }
0x25: {  	[simem:s6], [sflag:s4] =	dma.local [hbm:s3], $0xF7A  }
0x26: {  	[smem:$0x3F9B] =	sst s1;
	(tag) =	ssettag s2;
	_ =	strace s9  }
0x27: {  	s1 =	sld [smem:$0x3FAB]  }
0x28: {  	s2 =	sld [smem:$0x3FAC]  }
0x29: {  	s4 =	sld [smem:$0x3FAE]  }
0x2a: {  	p0 =	seq.s32 s5, $0x0;
	s5 =	sld [smem:$0x3FAF]  }
0x2b: {  	s6 =	sld [smem:$0x3FB0]  }
0x2c: {  	s7 =	sld [smem:$0x3FB1]  }
0x2d: {  	s3 =	simm.s32 $0x108;
	s8 =	sld [smem:$0x3FB2]  }
0x2e: {  	s3 =	simm.s32 @!p0 $0x1082;
	s9 =	sld [smem:$0x3FB3]  }
0x2f: {  	lr =	sadd.s32 s0, s3;
	s0 =	sld [smem:$0x3FAA]  }
0x30: {  	s3 =	sld [smem:$0x3FAD]  }
0x31: {  	[smem:$0x3FB6] =	sst s10  }
0x32: {  	s10 =	sld [smem:$0x3FB4];
	_ =	sdelay $0x3  }
0x33: {  	p0 =	seq.s32 s10, $0x1;
	s10 =	sld [smem:$0x3FB6];
	_ =	sdelay $0x3  }
0x34: {  	[smem:$0x3FB6] =	sst s10  }
0x35: {  	s10 =	sld [smem:$0x3FB5];
	_ =	sdelay $0x3  }
0x36: {  	p1 =	seq.s32 s10, $0x1;
	s10 =	sld [smem:$0x3FB6];
	_ =	sdelay $0x3  }
0x37: {  	[smem:$0x3FB6] =	sst s10  }
0x38: {  	s10 =	sld [smem:$0x3FB7]  }
0x39: {  	_ = 	snop;
	(pc) =	sbr.ind lr, $3  }
0x3a: {  	_ = 	snop  }
0x3b: {  	_ = 	snop  }
0x3c: {  	p2 =	seq.s32 s10, $0x1;
	s10 =	sld [smem:$0x3FB6]  }
0x3d: {  	_ =	shalt  }
0x3e: {  	_ =	shalt  }
0x3f: {  	_ =	shalt  }
0x40: {  	_ =	shalt  }
0x41: {  	_ =	shalt  }
0x42: {  	_ =	shalt  }
0x43: {  	_ =	shalt  }
0x44: {  	_ =	shalt  }
0x45: {  	_ =	shalt  }
0x46: {  	_ =	shalt  }
0x47: {  	_ =	shalt  }
0x48: {  	_ =	shalt  }
0x49: {  	_ =	shalt  }
0x4a: {  	_ =	shalt  }
0x4b: {  	_ =	shalt  }
0x4c: {  	_ =	shalt  }
0x4d: {  	_ =	shalt  }
0x4e: {  	_ =	shalt  }
0x4f: {  	_ =	shalt  }
0x50: {  	_ =	shalt  }
0x51: {  	_ =	shalt  }
0x52: {  	_ =	shalt  }
0x53: {  	_ =	shalt  }
0x54: {  	_ =	shalt  }
0x55: {  	_ =	shalt  }
0x56: {  	_ =	shalt  }
0x57: {  	_ =	shalt  }
0x58: {  	_ =	shalt  }
0x59: {  	_ =	shalt  }
0x5a: {  	_ =	shalt  }
0x5b: {  	_ =	shalt  }
0x5c: {  	_ =	shalt  }
0x5d: {  	_ =	shalt  }
0x5e: {  	_ =	shalt  }
0x5f: {  	_ =	shalt  }
0x60: {  	_ =	shalt  }
0x61: {  	_ =	shalt  }
0x62: {  	_ =	shalt  }
0x63: {  	_ =	shalt  }
0x64: {  	_ =	shalt  }
0x65: {  	_ =	shalt  }
0x66: {  	_ =	shalt  }
0x67: {  	_ =	shalt  }
0x68: {  	_ =	shalt  }
0x69: {  	_ =	shalt  }
0x6a: {  	_ =	shalt  }
0x6b: {  	_ =	shalt  }
0x6c: {  	_ =	shalt  }
0x6d: {  	_ =	shalt  }
0x6e: {  	_ =	shalt  }
0x6f: {  	_ =	shalt  }
0x70: {  	_ =	shalt  }
0x71: {  	_ =	shalt  }
0x72: {  	_ =	shalt  }
0x73: {  	_ =	shalt  }
0x74: {  	_ =	shalt  }
0x75: {  	_ =	shalt  }
0x76: {  	_ =	shalt  }
0x77: {  	_ =	shalt  }
0x78: {  	_ =	shalt  }
0x79: {  	_ =	shalt  }
0x7a: {  	_ =	shalt  }
0x7b: {  	_ =	shalt  }
0x7c: {  	_ =	shalt  }
0x7d: {  	_ =	shalt  }
0x7e: {  	_ =	shalt  }
0x7f: {  	_ =	shalt  }
0x80: {  	_ =	shalt  }
0x81: {  	_ =	shalt  }
0x82: {  	_ =	shalt  }
0x83: {  	_ =	shalt  }
0x84: {  	_ =	shalt  }
0x85: {  	_ =	shalt  }
0x86: {  	_ =	shalt  }
0x87: {  	_ =	shalt  }
.Lfunc_end0:
.L_simem_size_0:
called_computation_lowered:
.L_overlay_start_0:
0x88: {  	s2 =	sld [smem:$0x3FD9]  }
0x89: {  	s3 =	sld [smem:$0x3FFE];
	_ =	sdelay $0x1  }
0x8a: {  	s1 =	srdreg.scid  }
0x8b: {  	s0 =	sand.u32 $0x1, s1  }
0x8c: {  	s16 =	sshll.u32 s0, $0xA;
	s2 =	sadd.s32 s3, s2  }
0x8d: {  	s2 =	sadd.s32 s2, s16  }
0x8e: {  	[smem:$0x3FC2] =	sst s2  }
0x8f: {  	_ = 	snop  }
0x90: {  	(tm) =	ssettm $0x1  }
0x91: {  	s17 =	sld [smem:$0x3FFB];
	_ =	sdelay $0x3  }
0x92: {  	_ =	strace s17  }
0x93: {  	s2 =	sld [smem:$0x3FFC];
	_ =	sdelay $0x3  }
0x94: {  	_ =	strace s2  }
0x95: {  	s2 =	sld [smem:$0x3FFD];
	_ =	sdelay $0x3  }
0x96: {  	_ =	strace s2  }
0x97: {  	_ =	strace $0x8FFFFFFF  }
0x98: {  	s18 =	sld [smem:$0x3FDB];
	_ =	sdelay $0x1  }
0x99: {  	s19 =	simm.s32 $_scs_section_size  }
0x9a: {  	s4 =	simm.s32 $_size__tile_overlayer_lowered;
	s5 =	simm.s32 $_tile_overlayer_lowered  }
0x9b: {  	s22 =	simm.s32 $0x1BFF;
	s21 =	sshll.u32 s5, $0x1;
	s2 =	sadd.s32 s19, s18  }
0x9c: {  	s6 =	simm.s32 $0x0;
	s20 =	sshll.u32 s4, $0x1;
	s4 =	sadd.s32 s21, s2  }
0x9d: {  	[timem:s6], [sflag:s22] =	dma.local [hbm:s4], s20  }
0x9e: {  	_ =	swait.ge [sflag:s22], s20  }
0x9f: {  	s3 =	ssub.s32 $0x0, s20;
	[sflag:s22] =	ssyncset.done $0x0  }
0xa0: {  	[sflag:s22] =	ssyncadd.s32 s3;
	_ =	sdelay $0x1  }
0xa1: {  	s23 =	simm.s32 $0x1B8B  }
0xa2: {  	_ =	swait.ge [sflag:s23], $0x1  }
0xa3: {  	[sflag:s23] =	ssyncset.done $0x0  }
0xa4: {  	s25 =	simm.s32 $0x1B8E;
	s24 =	sld [smem:$0x3FFE];
	[sflag:s23] =	ssyncadd.s32 $0xFFFFFFFF  }
0xa5: {  	s26 =	simm.s32 $execute0_lowered;
	[smem:$0x3FD2] =	sst s25  }
0xa6: {  	s4 =	sshll.u32 s26, $0x1;
	_ =	strace $0x80000046;
	[dreg:$0x1] =	wrdreg $0xFFFFFFFF  }
0xa7: {  	s28 =	simm.s32 $_size_execute0_lowered;
	s2 =	sadd.s32 s2, s4;
	[dreg:$0x0] =	wrdreg $0x0  }
0xa8: {  	s4 =	sshll.u32 s28, $0x1;
	[dreg:$0x2] =	wrdreg s2  }
0xa9: {  	[dreg:$0x3] =	wrdreg s4  }
0xaa: {  	[dreg:$0x4] =	wrdreg $0xC0  }
0xab: {  	_ =	task [dreg:s6], $0x5FFFF  }
0xac: {  	[dreg:$0x1] =	wrdreg $0xFFFFFFFF  }
0xad: {  	[dreg:$0x0] =	wrdreg $0x60  }
0xae: {  	[dreg:$0x2] =	wrdreg s24  }
0xaf: {  	[dreg:$0x3] =	wrdreg $0x3C800  }
0xb0: {  	[dreg:$0x4] =	wrdreg $0x9  }
0xb1: {  	_ =	task.clear_ibuf [dreg:s6], $0x5FFFF;
	_ =	strace $0x90000046  }
0xb2: {  	s29 =	simm.s32 $0x9;
	_ =	strace $0x80000048  }
0xb3: {  	_ =	swait.ge [sflag:s29], $0x1  }
0xb4: {  	[sflag:s29] =	ssyncadd.s32 $0xFFFFFFFF  }
0xb5: {  	_ =	strace $0x90000048  }
0xb6: {  	_ =	sfence  }
0xb7: {  	s30 =	sld [smem:$0x0];
	_ =	sdelay $0x2  }
0xb8: {  	s31 =	sshll.u32 s1, $0xD;
	s1 =	sshrl.u32 s1, $0x2  }
0xb9: {  	s3 =	sand.u32 $0x4000, s31;
	s1 =	sadd.s32 s1, s30  }
0xba: {  	s0 =	sor.u32 s3, s0;
	s1 =	sshll.u32 s1, $0x11  }
0xbb: {  	s0 =	sor.u32 s1, s0  }
0xbc: {  	s0 =	sadd.s32 $0x8F2B, s0  }
0xbd: {  	[sflag:s0] =	ssyncadd.remote.s32 $0x1  }
0xbe: {  	_ =	sfence.sel $0xFFFF  }
0xbf: {  	[dreg:$0x0] =	wrdreg $0xFFFFFFFF;
	(pc) =	sbr.abs _section_cstart, $3  }
0xc0: {  	[dreg:$0x1] =	wrdreg $0xFFFFFFFF  }
0xc1: {  	_ =	task.clear_ibuf [dreg:s6], $0x2FFFF;
	_ =	strace $0x9FFFFFFF  }
0xc2: {  	(tm) =	ssettm $0x7FFFFFFF  }
0xc3: {  	_ =	shalt  }
tec
execute0_lowered:
.L_overlay_start_1:
0x0: {  	(tag) =	ssettag $0x1  }
0x1: {  	s0 =	srdreg.scid;
	s6 =	rddreg [dreg:$0x0]  }
0x2: {  	s2 =	rddreg [dreg:$0x1];
	s3 =	simm.s32 $0x0;
	s12 =	simm.s32 $0x3C00  }
0x3: {  	s15 =	simm.s32 $0x50;
	s16 =	simm.s32 $0x0;
	s4 =	sand.u32 $0x1, s0  }
0x4: {  	s0 =	stileid.u32;
	[smem:$0x7FF] =	sst s3;
	s1 =	sshll.u32 s4, $0x4  }
0x5: {  	s7 =	smul.u32 $0x2800, s4;
	s8 =	sshll.u32 s0, $0xA;
	s30 =	ssub.s32 $0x2, s4  }
0x6: {  	s4 =	sadd.s32 $0x10A00, s6;
	s31 =	sshll.u32 s0, $0x7;
	p0 =	sgt.u32 s0, $0x9  }
0x7: {  	s5 =	sor.u32 s0, s1;
	s1 =	rddreg [dreg:$0x2];
	_ =	strace $0x80000047  }
0x8: {  	s11 =	sshrl.u32 s30, $0x1;
	s14 =	sadd.s32 s8, s2;
	s13 =	sshll.u32 @!p0 s0, $0x6  }
0x9: {  	s5 =	smul.u32 $0x280, s5;
	s29 =	sadd.s32 s7, s8;
	s11 =	ssub.s32 s30, s11  }
0xa: {  	s7 =	sadd.s32 s4, s31;
	s13 =	sor.u32 @!p0 $0x1C01, s13;
	s10 =	sshrl.u32 s29, $0x3  }
0xb: {  	s14 =	sshrl.u32 @!p0 s14, $0x3;
	s9 =	sadd.s32 s5, s6;
	s10 =	sadd.s32 s10, s6  }
0xc: {  	s5 =	sadd.s32 $0x10800, s6;
	s6 =	sadd.s32 $0x6800, s9;
	s8 =	sadd.s32 $0x11000, s10  }
0xd: {  	v0 =	vimm.f32 $1.000000000e+00;
	s9 =	smax.u32 s11, $0x1;
	s10 =	simm.s32 $0x1;
	s11 =	simm.s32 $0x1400  }
.LBB2_1:
0xe: {  	[tilespmem:s3], [sflag:$0x1] =	stream.linear.gather [hbm4b:s6+s3], $0x1400, $0x38;
	[tilespmem:$0x3F00] =	vst v63  }
0xf: {  	_ =	swait.ge [sflag:s10], $0x1400  }
0x10: {  	[sflag:s10] =	ssyncset.done $0x0  }
0x11: {  	[sflag:s10] =	ssyncadd.s32 $0xFFFFEC00  }
0x12: {  	[tilespmem:s11], [sflag:$0x1] =	stream.linear.gather [hbm4b:s4+s3], $0x2800, $0x38;
	[tilespmem:$0x3F00] =	vst v63  }
0x13: {  	_ =	swait.ge [sflag:s10], $0x2800  }
0x14: {  	[sflag:s10] =	ssyncset.done $0x0  }
0x15: {  	[sflag:s10] =	ssyncadd.s32 $0xFFFFD800  }
0x16: {  	[tilespmem:s12], [sflag:$0x1] =	stream.linear.gather [hbm4b:s5+s3], $0x80, $0x38;
	[tilespmem:$0x3F00] =	vst v63  }
0x17: {  	_ =	swait.ge [sflag:s10], $0x80  }
0x18: {  	[sflag:s10] =	ssyncset.done $0x0  }
0x19: {  	s17 =	simm.s32 @!p0 $0x1;
	[sflag:s10] =	ssyncadd.s32 $0xFFFFFF80  }
0x1a: {  	[spmem:s14], [sflag:s13] =	dma.local @!p0 [hbm:s7], $0x80  }
0x1b: {  	_ =	swait.ge @!p0 [sflag:s17], $0x80  }
0x1c: {  	[sflag:s17] =	ssyncset.done @!p0 $0x0  }
0x1d: {  	[sflag:s17] =	ssyncadd.s32 @!p0 $0xFFFFFF80  }
0x1e: {  	s17 =	simm.s32 $0x0;
	[bflag:$0x0] =	sbarrier.arrive $0xFFFF  }
.LBB2_2:
0x1f: {  	s18 =	sshra.s32 s17, $0x2  }
0x20: {  	v1 =	vld [tilespmem:s18+$0x0];
	_ =	sdelay $0x7  }
0x21: {  	[tilespmem:v1+s11+$0x0] =	vst.idx.add.f32.msk $0xffff, v0  }
0x22: {  	v1 =	vld [tilespmem:s18+$0x10];
	_ =	sdelay $0x7  }
0x23: {  	[tilespmem:v1+s11+$0x0] =	vst.idx.add.f32.msk $0xffff, v0  }
0x24: {  	v1 =	vld [tilespmem:s18+$0x20];
	_ =	sdelay $0x7  }
0x25: {  	[tilespmem:v1+s11+$0x0] =	vst.idx.add.f32.msk $0xffff, v0  }
0x26: {  	v1 =	vld [tilespmem:s18+$0x30];
	_ =	sdelay $0x7  }
0x27: {  	[tilespmem:v1+s11+$0x0] =	vst.idx.add.f32.msk $0xffff, v0  }
0x28: {  	v1 =	vld [tilespmem:s18+$0x40];
	_ =	sdelay $0x7  }
0x29: {  	[tilespmem:v1+s11+$0x0] =	vst.idx.add.f32.msk $0xffff, v0  }
0x2a: {  	v1 =	vld [tilespmem:s18+$0x50];
	_ =	sdelay $0x7  }
0x2b: {  	[tilespmem:v1+s11+$0x0] =	vst.idx.add.f32.msk $0xffff, v0  }
0x2c: {  	v1 =	vld [tilespmem:s18+$0x60];
	_ =	sdelay $0x7  }
0x2d: {  	[tilespmem:v1+s11+$0x0] =	vst.idx.add.f32.msk $0xffff, v0  }
0x2e: {  	v1 =	vld [tilespmem:s18+$0x70];
	_ =	sdelay $0x2  }
0x2f: {  	p1 =	sne.s32 s17, $0x4E00  }
.Ltmp0:
0x30: {  	_ = 	snop;
	(pc) =	sbr.rel @p1 .LBB2_2-.Ltmp0, $2  }
0x31: {  	_ =	sdelay $0x2  }
0x32: {  	s17 =	sadd.s32 $0x200, s17;
	[tilespmem:v1+s11+$0x0] =	vst.idx.add.f32.msk $0xffff, v0  }
0x33: {  	[spmem:s2] =	stream.indirect.scatter.add.f32 [tilespmem:s11], [sflag:$0x1], $0x80, s12, s15, $0xb8;
	[tilespmem:$0x3F00] =	vst v63  }
0x34: {  	_ =	swait.ge [sflag:s10], $0x2800  }
0x35: {  	s16 =	sadd.s32 $0x1, s16;
	[sflag:s10] =	ssyncset.done $0x0  }
0x36: {  	p1 =	sne.s32 s16, s9;
	[sflag:s10] =	ssyncadd.s32 $0xFFFFD800  }
.Ltmp1:
0x37: {  	s17 =	simm.s32 @!p0 $0x1;
	[bflag:$0x0] =	sbarrier.arrive $0xFFFF;
	(pc) =	sbr.rel @p1 .LBB2_1-.Ltmp1, $4  }
0x38: {  	[hbm:s8], [sflag:s13] =	dma.local @!p0 [spmem:s14], $0x80  }
0x39: {  	_ =	swait.ge @!p0 [sflag:s17], $0x80  }
0x3a: {  	[sflag:s17] =	ssyncset.done @!p0 $0x0  }
0x3b: {  	[sflag:s17] =	ssyncadd.s32 @!p0 $0xFFFFFF80  }
0x3c: {  	_ =	sfence.sel $0x180000  }
0x3d: {  	[bflag:$0x0] =	sbarrier.arrive $0xFFFF  }
0x3e: {  	p0 =	sne.s32 s0, $0x0;
	_ =	strace $0x90000047  }
0x3f: {  	s0 =	sadd.s32 @!p0 $0x100000, s1;
	[bflag:$0x2] =	sbarrier.arrive $0xFFFF  }
0x40: {  	[sflag:s0] =	ssyncadd.tile.s32 @!p0 $0x1;
	_ =	shalt  }
.Lfunc_end2:
_tile_overlayer_lowered:
.L_overlay_start_2:
0x41: {  	(tag) =	ssettag $0x2  }
0x42: {  	s0 =	rddreg [dreg:$0x0];
	s2 =	stileid.u32  }
0x43: {  	s1 =	rddreg [dreg:$0x1];
	p0 =	sne.s32 s2, $0x0  }
0x44: {  	s3 =	rddreg [dreg:$0x2];
	[bflag:$0x3] =	sbarrier.arrive $0xFFFF;
	s2 =	simm.s32 @!p0 $0x1C01  }
0x45: {  	[timem:s3], [sflag:s2] =	dma.local @!p0 [hbm:s0], s1  }
0x46: {  	s0 =	simm.s32 @!p0 $0x1  }
0x47: {  	_ =	swait.ge @!p0 [sflag:s0], s1  }
0x48: {  	s1 =	ssub.s32 @!p0 $0x0, s1;
	[sflag:s0] =	ssyncset.done @!p0 $0x0  }
0x49: {  	[sflag:s0] =	ssyncadd.s32 @!p0 s1  }
0x4a: {  	[bflag:$0x3] =	sbarrier.arrive $0xFFFF  }
0x4b: {  	_ =	shalt  }

</sc_bundles>
